<compile_context>
chip_gen: v7x
topology: tpu7x:2x2x1
jax: 0.10.2.dev20260603
libtpu: 0.0.44.dev20260713+nightly
codegen_flags: <defaults>
</compile_context>

<pallas_src>
import functools

import jax
import jax.numpy as jnp
from jax import lax
from jax.experimental import pallas as pl
from jax.experimental.pallas import tpu as pltpu
from jax.experimental.pallas import tpu_sc as plsc

_R, _C = 64, 32768
_NC, _NS, _L = 2, 16, 16
_NW = _NC * _NS
_SC_R = 16
_PANEL = _C // _NW
_CHUNK = _PANEL // 2
_NCHUNK = 2

_mesh = plsc.VectorSubcoreMesh(core_axis_name="c", subcore_axis_name="s")


@functools.partial(
    pl.kernel,
    out_type=jax.ShapeDtypeStruct((_SC_R, _C), jnp.float32),
    mesh=_mesh,
    scratch_types=[
        pltpu.VMEM((_NCHUNK, _SC_R, _CHUNK), jnp.float32),
        pltpu.VMEM((_NCHUNK, _CHUNK), jnp.int32),
        pltpu.SemaphoreType.DMA((_NCHUNK,)),
        pltpu.SemaphoreType.DMA((_NCHUNK,)),
        pltpu.SemaphoreType.DMA((_NCHUNK,)),
    ],
)
def _domain_mask_sc(w_hbm, p_hbm, out_hbm, w_v, b_v, s_w, s_b, s_o):
    wid = lax.axis_index("s") * _NC + lax.axis_index("c")
    col0 = pl.multiple_of(wid * _PANEL, _PANEL)

    zero = jnp.zeros((_L,), jnp.float32)

    in_w, in_b, out_h = [], [], []
    for c in range(_NCHUNK):
        col = col0 + c * _CHUNK
        in_w.append(pltpu.async_copy(
            w_hbm.at[pl.ds(0, _SC_R), pl.ds(col, _CHUNK)],
            w_v.at[c], s_w.at[c]))
        in_b.append(pltpu.async_copy(
            p_hbm.at[pl.ds(col, _CHUNK)], b_v.at[c], s_b.at[c]))

    for c in range(_NCHUNK):
        in_w[c].wait()
        in_b[c].wait()

        @plsc.parallel_loop(0, _CHUNK // _L)
        def _body(j):
            words = b_v[c, pl.ds(j * _L, _L)]
            for r in range(_SC_R):
                vec = w_v[c, r, pl.ds(j * _L, _L)]
                hit = (words << (31 - r)) < 0
                w_v[c, r, pl.ds(j * _L, _L)] = jnp.where(hit, vec, zero)

        out_h.append(pltpu.async_copy(
            w_v.at[c],
            out_hbm.at[pl.ds(0, _SC_R), pl.ds(col0 + c * _CHUNK, _CHUNK)],
            s_o.at[c]))

    for h in out_h:
        h.wait()


def _tc_body(w_ref, m_ref, o_ref):
    o_ref[...] = jnp.where(m_ref[...] != 0, w_ref[...], jnp.float32(0.0))


_TC_GRID = (_R - _SC_R) // 16

_tc_rows = pl.pallas_call(
    _tc_body,
    grid=(_TC_GRID,),
    in_specs=[
        pl.BlockSpec((16, _C), lambda i: (i + _SC_R // 16, 0)),
        pl.BlockSpec((16, _C), lambda i: (i + _SC_R // 16, 0)),
    ],
    out_specs=pl.BlockSpec((16, _C), lambda i: (i + _SC_R // 16, 0)),
    out_shape=jax.ShapeDtypeStruct((_R, _C), jnp.float32),
)


def _pack_rows(m8):
    wt = jnp.left_shift(
        jnp.int32(1), jnp.arange(_SC_R, dtype=jnp.int32)
    )[:, None]
    return jnp.sum(m8[:_SC_R].astype(jnp.int32) * wt, axis=0)


def kernel(w, mask):
    m8 = mask.view(jnp.int8)
    sc_out = _domain_mask_sc(w, _pack_rows(m8))
    tc_out = _tc_rows(w, m8)
    return lax.dynamic_update_slice(tc_out, sc_out, (0, 0))

# --- scband reference (transcript-rebuilt; emitter-appended) ---
"""Pipeline reference for scband-domain-mask-12799002542357 (READ-ONLY COPY).

The authoritative reference and input builder live on the scoring server;
editing this copy changes nothing except your own understanding.
"""

import jax, jax.numpy as jnp
import numpy as np

DIMS = (64, 32768)

def setup_inputs(seed: int = 0) -> dict:
    key = jax.random.key(seed)
    k1, k2 = jax.random.split(key)
    w = jax.random.normal(k1, DIMS, dtype=jnp.float32)
    mask = jax.random.randint(k2, DIMS, 0, 2).astype(jnp.bool_)
    return {"w": w, "mask": mask}

def reference(w, mask):
    # Faithful translation of DomainMask.forward:
    #   W = w.reshape(dims); D = zeros_like(W); D[mask] = W[mask]; return D.reshape(w.shape)
    # Boolean-mask scatter-overwrite into a zero tensor == jnp.where(mask, W, 0).
    dims = DIMS
    W = w.reshape(dims)
    D = jnp.where(mask, W, jnp.zeros_like(W))
    out = D.reshape(w.shape)
    return out

if __name__ == "__main__":
    import jax
    _d = setup_inputs()
    print(jax.jit(kernel)(*tuple(_d.values())))

</pallas_src>

<mosaic_0001>
#map = affine_map<(d0, d1) -> (0, 0)>
#map1 = affine_map<(d0, d1) -> (0)>
module attributes {stable_mosaic.version = 14 : i64} {
  func.func @_domain_mask_sc(%arg0: i32, %arg1: i32, %arg2: memref<64x32768xf32, #tpu.memory_space<hbm>>, %arg3: memref<32768xi32, #tpu.memory_space<hbm>>, %arg4: memref<16x32768xf32, #tpu.memory_space<hbm>>, %arg5: memref<2x16x512xf32, #tpu.memory_space<vmem>>, %arg6: memref<2x512xi32, #tpu.memory_space<vmem>>, %arg7: memref<2x!tpu.dma_semaphore, #tpu.memory_space<semaphore_mem>>, %arg8: memref<2x!tpu.dma_semaphore, #tpu.memory_space<semaphore_mem>>, %arg9: memref<2x!tpu.dma_semaphore, #tpu.memory_space<semaphore_mem>>) attributes {dimension_semantics = [#tpu.dimension_semantics<core_parallel>, #tpu.dimension_semantics<subcore_parallel>], iteration_bounds = array<i64: 2, 16>, scalar_prefetch = 0 : i64, scratch_operands = 5 : i64, tpu.core_type = #tpu.core_type<sc_vector_subcore>, window_params = [{transform_indices = #map}, {transform_indices = #map1}, {transform_indices = #map}]} {
    %mul3A = arith.constant 2 : i32
    %mul3A_0 = arith.muli %arg1, %mul3A : i32
    %add3A = arith.addi %mul3A_0, %arg0 : i32
    %mul3A_1 = arith.constant 1024 : i32
    %mul3A_2 = arith.muli %add3A, %mul3A_1 : i32
    %multiple_of3A = tpu.assume_multiple %mul3A_2, 1024 : i32
    %broadcast_in_dim3A = arith.constant 0.000000e+00 : f32
    %broadcast_in_dim3A_3 = vector.broadcast %broadcast_in_dim3A : f32 to vector<16xf32>
    %add3A_4 = arith.constant 0 : i32
    %add3A_5 = arith.addi %multiple_of3A, %add3A_4 : i32
    %dma_start3A = arith.constant 0 : i32
    %dma_start3A_6 = arith.constant 0 : i32
    %dma_start3A_7 = arith.constant 0 : i32
    %dma_start3A_8 = arith.constant 0 : i32
    %dma_start3A_9 = tpu.memref_slice %arg5[%dma_start3A, %dma_start3A_7, %dma_start3A_8] : memref<2x16x512xf32, #tpu.memory_space<vmem>> -> memref<1x16x512xf32, #tpu.memory_space<vmem>>
    %dma_start3A_10 = tpu.memref_squeeze %dma_start3A_9 : memref<1x16x512xf32, #tpu.memory_space<vmem>> -> memref<16x512xf32, #tpu.memory_space<vmem>>
    %dma_start3A_11 = arith.constant 0 : i32
    %dma_start3A_12 = tpu.memref_slice %arg2[%dma_start3A_11, %add3A_5] : memref<64x32768xf32, #tpu.memory_space<hbm>> -> memref<16x512xf32, #tpu.memory_space<hbm>>
    %dma_start3A_13 = tpu.memref_slice %arg7[%dma_start3A_6] : memref<2x!tpu.dma_semaphore, #tpu.memory_space<semaphore_mem>> -> memref<1x!tpu.dma_semaphore, #tpu.memory_space<semaphore_mem>>
    %dma_start3A_14 = tpu.memref_squeeze %dma_start3A_13 : memref<1x!tpu.dma_semaphore, #tpu.memory_space<semaphore_mem>> -> memref<!tpu.dma_semaphore, #tpu.memory_space<semaphore_mem>>
    %dma_start3A_15 = arith.constant 0 : i32
    %dma_start3A_16 = arith.constant 0 : i32
    %dma_start3A_17 = tpu.memref_slice %arg5[%dma_start3A, %dma_start3A_15, %dma_start3A_16] : memref<2x16x512xf32, #tpu.memory_space<vmem>> -> memref<1x16x512xf32, #tpu.memory_space<vmem>>
    %dma_start3A_18 = tpu.memref_squeeze %dma_start3A_17 : memref<1x16x512xf32, #tpu.memory_space<vmem>> -> memref<16x512xf32, #tpu.memory_space<vmem>>
    %dma_start3A_19 = arith.constant 0 : i32
    %dma_start3A_20 = tpu.memref_slice %arg2[%dma_start3A_19, %add3A_5] : memref<64x32768xf32, #tpu.memory_space<hbm>> -> memref<16x512xf32, #tpu.memory_space<hbm>>
    tpu.enqueue_dma source(%dma_start3A_20 : memref<16x512xf32, #tpu.memory_space<hbm>>) target(%dma_start3A_18 : memref<16x512xf32, #tpu.memory_space<vmem>>) target_semaphore(%dma_start3A_14 : memref<!tpu.dma_semaphore, #tpu.memory_space<semaphore_mem>>)
    %dma_start3A_21 = arith.constant 0 : i32
    %dma_start3A_22 = arith.constant 0 : i32
    %dma_start3A_23 = arith.constant 0 : i32
    %dma_start3A_24 = tpu.memref_slice %arg6[%dma_start3A_21, %dma_start3A_23] : memref<2x512xi32, #tpu.memory_space<vmem>> -> memref<1x512xi32, #tpu.memory_space<vmem>>
    %dma_start3A_25 = tpu.memref_squeeze %dma_start3A_24 : memref<1x512xi32, #tpu.memory_space<vmem>> -> memref<512xi32, #tpu.memory_space<vmem>>
    %dma_start3A_26 = tpu.memref_slice %arg3[%add3A_5] : memref<32768xi32, #tpu.memory_space<hbm>> -> memref<512xi32, #tpu.memory_space<hbm>>
    %dma_start3A_27 = tpu.memref_slice %arg8[%dma_start3A_22] : memref<2x!tpu.dma_semaphore, #tpu.memory_space<semaphore_mem>> -> memref<1x!tpu.dma_semaphore, #tpu.memory_space<semaphore_mem>>
    %dma_start3A_28 = tpu.memref_squeeze %dma_start3A_27 : memref<1x!tpu.dma_semaphore, #tpu.memory_space<semaphore_mem>> -> memref<!tpu.dma_semaphore, #tpu.memory_space<semaphore_mem>>
    %dma_start3A_29 = arith.constant 0 : i32
    %dma_start3A_30 = tpu.memref_slice %arg6[%dma_start3A_21, %dma_start3A_29] : memref<2x512xi32, #tpu.memory_space<vmem>> -> memref<1x512xi32, #tpu.memory_space<vmem>>
    %dma_start3A_31 = tpu.memref_squeeze %dma_start3A_30 : memref<1x512xi32, #tpu.memory_space<vmem>> -> memref<512xi32, #tpu.memory_space<vmem>>
    %dma_start3A_32 = tpu.memref_slice %arg3[%add3A_5] : memref<32768xi32, #tpu.memory_space<hbm>> -> memref<512xi32, #tpu.memory_space<hbm>>
    tpu.enqueue_dma source(%dma_start3A_32 : memref<512xi32, #tpu.memory_space<hbm>>) target(%dma_start3A_31 : memref<512xi32, #tpu.memory_space<vmem>>) target_semaphore(%dma_start3A_28 : memref<!tpu.dma_semaphore, #tpu.memory_space<semaphore_mem>>)
    %add3A_33 = arith.constant 512 : i32
    %add3A_34 = arith.addi %multiple_of3A, %add3A_33 : i32
    %dma_start3A_35 = arith.constant 1 : i32
    %dma_start3A_36 = arith.constant 1 : i32
    %dma_start3A_37 = arith.constant 0 : i32
    %dma_start3A_38 = arith.constant 0 : i32
    %dma_start3A_39 = tpu.memref_slice %arg5[%dma_start3A_35, %dma_start3A_37, %dma_start3A_38] : memref<2x16x512xf32, #tpu.memory_space<vmem>> -> memref<1x16x512xf32, #tpu.memory_space<vmem>>
    %dma_start3A_40 = tpu.memref_squeeze %dma_start3A_39 : memref<1x16x512xf32, #tpu.memory_space<vmem>> -> memref<16x512xf32, #tpu.memory_space<vmem>>
    %dma_start3A_41 = arith.constant 0 : i32
    %dma_start3A_42 = tpu.memref_slice %arg2[%dma_start3A_41, %add3A_34] : memref<64x32768xf32, #tpu.memory_space<hbm>> -> memref<16x512xf32, #tpu.memory_space<hbm>>
    %dma_start3A_43 = tpu.memref_slice %arg7[%dma_start3A_36] : memref<2x!tpu.dma_semaphore, #tpu.memory_space<semaphore_mem>> -> memref<1x!tpu.dma_semaphore, #tpu.memory_space<semaphore_mem>>
    %dma_start3A_44 = tpu.memref_squeeze %dma_start3A_43 : memref<1x!tpu.dma_semaphore, #tpu.memory_space<semaphore_mem>> -> memref<!tpu.dma_semaphore, #tpu.memory_space<semaphore_mem>>
    %dma_start3A_45 = arith.constant 0 : i32
    %dma_start3A_46 = arith.constant 0 : i32
    %dma_start3A_47 = tpu.memref_slice %arg5[%dma_start3A_35, %dma_start3A_45, %dma_start3A_46] : memref<2x16x512xf32, #tpu.memory_space<vmem>> -> memref<1x16x512xf32, #tpu.memory_space<vmem>>
    %dma_start3A_48 = tpu.memref_squeeze %dma_start3A_47 : memref<1x16x512xf32, #tpu.memory_space<vmem>> -> memref<16x512xf32, #tpu.memory_space<vmem>>
    %dma_start3A_49 = arith.constant 0 : i32
    %dma_start3A_50 = tpu.memref_slice %arg2[%dma_start3A_49, %add3A_34] : memref<64x32768xf32, #tpu.memory_space<hbm>> -> memref<16x512xf32, #tpu.memory_space<hbm>>
    tpu.enqueue_dma source(%dma_start3A_50 : memref<16x512xf32, #tpu.memory_space<hbm>>) target(%dma_start3A_48 : memref<16x512xf32, #tpu.memory_space<vmem>>) target_semaphore(%dma_start3A_44 : memref<!tpu.dma_semaphore, #tpu.memory_space<semaphore_mem>>)
    %dma_start3A_51 = arith.constant 1 : i32
    %dma_start3A_52 = arith.constant 1 : i32
    %dma_start3A_53 = arith.constant 0 : i32
    %dma_start3A_54 = tpu.memref_slice %arg6[%dma_start3A_51, %dma_start3A_53] : memref<2x512xi32, #tpu.memory_space<vmem>> -> memref<1x512xi32, #tpu.memory_space<vmem>>
    %dma_start3A_55 = tpu.memref_squeeze %dma_start3A_54 : memref<1x512xi32, #tpu.memory_space<vmem>> -> memref<512xi32, #tpu.memory_space<vmem>>
    %dma_start3A_56 = tpu.memref_slice %arg3[%add3A_34] : memref<32768xi32, #tpu.memory_space<hbm>> -> memref<512xi32, #tpu.memory_space<hbm>>
    %dma_start3A_57 = tpu.memref_slice %arg8[%dma_start3A_52] : memref<2x!tpu.dma_semaphore, #tpu.memory_space<semaphore_mem>> -> memref<1x!tpu.dma_semaphore, #tpu.memory_space<semaphore_mem>>
    %dma_start3A_58 = tpu.memref_squeeze %dma_start3A_57 : memref<1x!tpu.dma_semaphore, #tpu.memory_space<semaphore_mem>> -> memref<!tpu.dma_semaphore, #tpu.memory_space<semaphore_mem>>
    %dma_start3A_59 = arith.constant 0 : i32
    %dma_start3A_60 = tpu.memref_slice %arg6[%dma_start3A_51, %dma_start3A_59] : memref<2x512xi32, #tpu.memory_space<vmem>> -> memref<1x512xi32, #tpu.memory_space<vmem>>
    %dma_start3A_61 = tpu.memref_squeeze %dma_start3A_60 : memref<1x512xi32, #tpu.memory_space<vmem>> -> memref<512xi32, #tpu.memory_space<vmem>>
    %dma_start3A_62 = tpu.memref_slice %arg3[%add3A_34] : memref<32768xi32, #tpu.memory_space<hbm>> -> memref<512xi32, #tpu.memory_space<hbm>>
    tpu.enqueue_dma source(%dma_start3A_62 : memref<512xi32, #tpu.memory_space<hbm>>) target(%dma_start3A_61 : memref<512xi32, #tpu.memory_space<vmem>>) target_semaphore(%dma_start3A_58 : memref<!tpu.dma_semaphore, #tpu.memory_space<semaphore_mem>>)
    %dma_wait3A = arith.constant 0 : i32
    %dma_wait3A_63 = arith.constant 0 : i32
    %dma_wait3A_64 = arith.constant 0 : i32
    %dma_wait3A_65 = arith.constant 0 : i32
    %dma_wait3A_66 = tpu.memref_slice %arg5[%dma_wait3A, %dma_wait3A_64, %dma_wait3A_65] : memref<2x16x512xf32, #tpu.memory_space<vmem>> -> memref<1x16x512xf32, #tpu.memory_space<vmem>>
    %dma_wait3A_67 = tpu.memref_squeeze %dma_wait3A_66 : memref<1x16x512xf32, #tpu.memory_space<vmem>> -> memref<16x512xf32, #tpu.memory_space<vmem>>
    %dma_wait3A_68 = arith.constant 0 : i32
    %dma_wait3A_69 = tpu.memref_slice %arg2[%dma_wait3A_68, %add3A_5] : memref<64x32768xf32, #tpu.memory_space<hbm>> -> memref<16x512xf32, #tpu.memory_space<hbm>>
    %dma_wait3A_70 = tpu.memref_slice %arg7[%dma_wait3A_63] : memref<2x!tpu.dma_semaphore, #tpu.memory_space<semaphore_mem>> -> memref<1x!tpu.dma_semaphore, #tpu.memory_space<semaphore_mem>>
    %dma_wait3A_71 = tpu.memref_squeeze %dma_wait3A_70 : memref<1x!tpu.dma_semaphore, #tpu.memory_space<semaphore_mem>> -> memref<!tpu.dma_semaphore, #tpu.memory_space<semaphore_mem>>
    %dma_wait3A_72 = arith.constant 0 : i32
    %dma_wait3A_73 = arith.constant 0 : i32
    %dma_wait3A_74 = tpu.memref_slice %arg5[%dma_wait3A, %dma_wait3A_72, %dma_wait3A_73] : memref<2x16x512xf32, #tpu.memory_space<vmem>> -> memref<1x16x512xf32, #tpu.memory_space<vmem>>
    %dma_wait3A_75 = tpu.memref_squeeze %dma_wait3A_74 : memref<1x16x512xf32, #tpu.memory_space<vmem>> -> memref<16x512xf32, #tpu.memory_space<vmem>>
    %dma_wait3A_76 = arith.constant 0 : i32
    %dma_wait3A_77 = tpu.memref_slice %arg2[%dma_wait3A_76, %add3A_5] : memref<64x32768xf32, #tpu.memory_space<hbm>> -> memref<16x512xf32, #tpu.memory_space<hbm>>
    tpu.wait_dma2 semaphore(%dma_wait3A_71 : memref<!tpu.dma_semaphore, #tpu.memory_space<semaphore_mem>>) src(%dma_wait3A_77 : memref<16x512xf32, #tpu.memory_space<hbm>>) dst(%dma_wait3A_75 : memref<16x512xf32, #tpu.memory_space<vmem>>)
    %dma_wait3A_78 = arith.constant 0 : i32
    %dma_wait3A_79 = arith.constant 0 : i32
    %dma_wait3A_80 = arith.constant 0 : i32
    %dma_wait3A_81 = tpu.memref_slice %arg6[%dma_wait3A_78, %dma_wait3A_80] : memref<2x512xi32, #tpu.memory_space<vmem>> -> memref<1x512xi32, #tpu.memory_space<vmem>>
    %dma_wait3A_82 = tpu.memref_squeeze %dma_wait3A_81 : memref<1x512xi32, #tpu.memory_space<vmem>> -> memref<512xi32, #tpu.memory_space<vmem>>
    %dma_wait3A_83 = tpu.memref_slice %arg3[%add3A_5] : memref<32768xi32, #tpu.memory_space<hbm>> -> memref<512xi32, #tpu.memory_space<hbm>>
    %dma_wait3A_84 = tpu.memref_slice %arg8[%dma_wait3A_79] : memref<2x!tpu.dma_semaphore, #tpu.memory_space<semaphore_mem>> -> memref<1x!tpu.dma_semaphore, #tpu.memory_space<semaphore_mem>>
    %dma_wait3A_85 = tpu.memref_squeeze %dma_wait3A_84 : memref<1x!tpu.dma_semaphore, #tpu.memory_space<semaphore_mem>> -> memref<!tpu.dma_semaphore, #tpu.memory_space<semaphore_mem>>
    %dma_wait3A_86 = arith.constant 0 : i32
    %dma_wait3A_87 = tpu.memref_slice %arg6[%dma_wait3A_78, %dma_wait3A_86] : memref<2x512xi32, #tpu.memory_space<vmem>> -> memref<1x512xi32, #tpu.memory_space<vmem>>
    %dma_wait3A_88 = tpu.memref_squeeze %dma_wait3A_87 : memref<1x512xi32, #tpu.memory_space<vmem>> -> memref<512xi32, #tpu.memory_space<vmem>>
    %dma_wait3A_89 = tpu.memref_slice %arg3[%add3A_5] : memref<32768xi32, #tpu.memory_space<hbm>> -> memref<512xi32, #tpu.memory_space<hbm>>
    tpu.wait_dma2 semaphore(%dma_wait3A_85 : memref<!tpu.dma_semaphore, #tpu.memory_space<semaphore_mem>>) src(%dma_wait3A_89 : memref<512xi32, #tpu.memory_space<hbm>>) dst(%dma_wait3A_88 : memref<512xi32, #tpu.memory_space<vmem>>)
    %parallel_loop3A = arith.constant 0 : i32
    %parallel_loop3A_90 = arith.constant 32 : i32
    %parallel_loop3A_91 = arith.constant 1 : i32
    scf.for %parallel_loop3A_191 = %parallel_loop3A to %parallel_loop3A_90 step %parallel_loop3A_91  : i32 {
      %parallel_loop3A_192 = arith.constant 16 : i32
      %parallel_loop3A_193 = arith.muli %parallel_loop3A_191, %parallel_loop3A_192 : i32
      %parallel_loop3A_194 = arith.constant 0 : i32
      %parallel_loop3A_195 = arith.index_cast %parallel_loop3A_194 : i32 to index
      %parallel_loop3A_196 = arith.index_cast %parallel_loop3A_193 : i32 to index
      %parallel_loop3A_197 = tpu.vector_load %arg6[%parallel_loop3A_195, %parallel_loop3A_196] {strides = array<i32>} : memref<2x512xi32, #tpu.memory_space<vmem>>, vector<1x16xi32>,
      %parallel_loop3A_198 = vector.shape_cast %parallel_loop3A_197 : vector<1x16xi32> to vector<16xi32>
      %parallel_loop3A_199 = arith.constant 16 : i32
      %parallel_loop3A_200 = arith.muli %parallel_loop3A_191, %parallel_loop3A_199 : i32
      %parallel_loop3A_201 = arith.constant 0 : i32
      %parallel_loop3A_202 = arith.constant 0 : i32
      %parallel_loop3A_203 = arith.index_cast %parallel_loop3A_201 : i32 to index
      %parallel_loop3A_204 = arith.index_cast %parallel_loop3A_202 : i32 to index
      %parallel_loop3A_205 = arith.index_cast %parallel_loop3A_200 : i32 to index
      %parallel_loop3A_206 = tpu.vector_load %arg5[%parallel_loop3A_203, %parallel_loop3A_204, %parallel_loop3A_205] {strides = array<i32>} : memref<2x16x512xf32, #tpu.memory_space<vmem>>, vector<1x1x16xf32>,
      %parallel_loop3A_207 = vector.shape_cast %parallel_loop3A_206 : vector<1x1x16xf32> to vector<16xf32>
      %parallel_loop3A_208 = arith.constant 31 : i32
      %parallel_loop3A_209 = vector.broadcast %parallel_loop3A_208 : i32 to vector<16xi32>
      %parallel_loop3A_210 = arith.shli %parallel_loop3A_198, %parallel_loop3A_209 : vector<16xi32>
      %parallel_loop3A_211 = arith.constant 0 : i32
      %parallel_loop3A_212 = vector.broadcast %parallel_loop3A_211 : i32 to vector<16xi32>
      %parallel_loop3A_213 = arith.cmpi slt, %parallel_loop3A_210, %parallel_loop3A_212 : vector<16xi32>
      %parallel_loop3A_214 = arith.select %parallel_loop3A_213, %parallel_loop3A_207, %broadcast_in_dim3A_3 : vector<16xi1>, vector<16xf32>
      %parallel_loop3A_215 = arith.constant 16 : i32
      %parallel_loop3A_216 = arith.muli %parallel_loop3A_191, %parallel_loop3A_215 : i32
      %parallel_loop3A_217 = arith.constant 0 : i32
      %parallel_loop3A_218 = arith.constant 0 : i32
      %parallel_loop3A_219 = arith.index_cast %parallel_loop3A_217 : i32 to index
      %parallel_loop3A_220 = arith.index_cast %parallel_loop3A_218 : i32 to index
      %parallel_loop3A_221 = arith.index_cast %parallel_loop3A_216 : i32 to index
      %parallel_loop3A_222 = tpu.vector_load %arg5[%parallel_loop3A_219, %parallel_loop3A_220, %parallel_loop3A_221] {strides = array<i32>} : memref<2x16x512xf32, #tpu.memory_space<vmem>>, vector<1x1x16xf32>,
      %parallel_loop3A_223 = vector.shape_cast %parallel_loop3A_222 : vector<1x1x16xf32> to vector<16xf32>
      %parallel_loop3A_224 = vector.shape_cast %parallel_loop3A_214 : vector<16xf32> to vector<1x1x16xf32>
      tpu.vector_store %arg5[%parallel_loop3A_219, %parallel_loop3A_220, %parallel_loop3A_221], %parallel_loop3A_224 {strides = array<i32>} : memref<2x16x512xf32, #tpu.memory_space<vmem>>, vector<1x1x16xf32>,
      %parallel_loop3A_225 = arith.constant 16 : i32
      %parallel_loop3A_226 = arith.muli %parallel_loop3A_191, %parallel_loop3A_225 : i32
      %parallel_loop3A_227 = arith.constant 0 : i32
      %parallel_loop3A_228 = arith.constant 1 : i32
      %parallel_loop3A_229 = arith.index_cast %parallel_loop3A_227 : i32 to index
      %parallel_loop3A_230 = arith.index_cast %parallel_loop3A_228 : i32 to index
      %parallel_loop3A_231 = arith.index_cast %parallel_loop3A_226 : i32 to index
      %parallel_loop3A_232 = tpu.vector_load %arg5[%parallel_loop3A_229, %parallel_loop3A_230, %parallel_loop3A_231] {strides = array<i32>} : memref<2x16x512xf32, #tpu.memory_space<vmem>>, vector<1x1x16xf32>,
      %parallel_loop3A_233 = vector.shape_cast %parallel_loop3A_232 : vector<1x1x16xf32> to vector<16xf32>
      %parallel_loop3A_234 = arith.constant 30 : i32
      %parallel_loop3A_235 = vector.broadcast %parallel_loop3A_234 : i32 to vector<16xi32>
      %parallel_loop3A_236 = arith.shli %parallel_loop3A_198, %parallel_loop3A_235 : vector<16xi32>
      %parallel_loop3A_237 = arith.constant 0 : i32
      %parallel_loop3A_238 = vector.broadcast %parallel_loop3A_237 : i32 to vector<16xi32>
      %parallel_loop3A_239 = arith.cmpi slt, %parallel_loop3A_236, %parallel_loop3A_238 : vector<16xi32>
      %parallel_loop3A_240 = arith.select %parallel_loop3A_239, %parallel_loop3A_233, %broadcast_in_dim3A_3 : vector<16xi1>, vector<16xf32>
      %parallel_loop3A_241 = arith.constant 16 : i32
      %parallel_loop3A_242 = arith.muli %parallel_loop3A_191, %parallel_loop3A_241 : i32
      %parallel_loop3A_243 = arith.constant 0 : i32
      %parallel_loop3A_244 = arith.constant 1 : i32
      %parallel_loop3A_245 = arith.index_cast %parallel_loop3A_243 : i32 to index
      %parallel_loop3A_246 = arith.index_cast %parallel_loop3A_244 : i32 to index
      %parallel_loop3A_247 = arith.index_cast %parallel_loop3A_242 : i32 to index
      %parallel_loop3A_248 = tpu.vector_load %arg5[%parallel_loop3A_245, %parallel_loop3A_246, %parallel_loop3A_247] {strides = array<i32>} : memref<2x16x512xf32, #tpu.memory_space<vmem>>, vector<1x1x16xf32>,
      %parallel_loop3A_249 = vector.shape_cast %parallel_loop3A_248 : vector<1x1x16xf32> to vector<16xf32>
      %parallel_loop3A_250 = vector.shape_cast %parallel_loop3A_240 : vector<16xf32> to vector<1x1x16xf32>
      tpu.vector_store %arg5[%parallel_loop3A_245, %parallel_loop3A_246, %parallel_loop3A_247], %parallel_loop3A_250 {strides = array<i32>} : memref<2x16x512xf32, #tpu.memory_space<vmem>>, vector<1x1x16xf32>,
      %parallel_loop3A_251 = arith.constant 16 : i32
      %parallel_loop3A_252 = arith.muli %parallel_loop3A_191, %parallel_loop3A_251 : i32
      %parallel_loop3A_253 = arith.constant 0 : i32
      %parallel_loop3A_254 = arith.constant 2 : i32
      %parallel_loop3A_255 = arith.index_cast %parallel_loop3A_253 : i32 to index
      %parallel_loop3A_256 = arith.index_cast %parallel_loop3A_254 : i32 to index
      %parallel_loop3A_257 = arith.index_cast %parallel_loop3A_252 : i32 to index
      %parallel_loop3A_258 = tpu.vector_load %arg5[%parallel_loop3A_255, %parallel_loop3A_256, %parallel_loop3A_257] {strides = array<i32>} : memref<2x16x512xf32, #tpu.memory_space<vmem>>, vector<1x1x16xf32>,
      %parallel_loop3A_259 = vector.shape_cast %parallel_loop3A_258 : vector<1x1x16xf32> to vector<16xf32>
      %parallel_loop3A_260 = arith.constant 29 : i32
      %parallel_loop3A_261 = vector.broadcast %parallel_loop3A_260 : i32 to vector<16xi32>
      %parallel_loop3A_262 = arith.shli %parallel_loop3A_198, %parallel_loop3A_261 : vector<16xi32>
      %parallel_loop3A_263 = arith.constant 0 : i32
      %parallel_loop3A_264 = vector.broadcast %parallel_loop3A_263 : i32 to vector<16xi32>
      %parallel_loop3A_265 = arith.cmpi slt, %parallel_loop3A_262, %parallel_loop3A_264 : vector<16xi32>
      %parallel_loop3A_266 = arith.select %parallel_loop3A_265, %parallel_loop3A_259, %broadcast_in_dim3A_3 : vector<16xi1>, vector<16xf32>
      %parallel_loop3A_267 = arith.constant 16 : i32
      %parallel_loop3A_268 = arith.muli %parallel_loop3A_191, %parallel_loop3A_267 : i32
      %parallel_loop3A_269 = arith.constant 0 : i32
      %parallel_loop3A_270 = arith.constant 2 : i32
      %parallel_loop3A_271 = arith.index_cast %parallel_loop3A_269 : i32 to index
      %parallel_loop3A_272 = arith.index_cast %parallel_loop3A_270 : i32 to index
      %parallel_loop3A_273 = arith.index_cast %parallel_loop3A_268 : i32 to index
      %parallel_loop3A_274 = tpu.vector_load %arg5[%parallel_loop3A_271, %parallel_loop3A_272, %parallel_loop3A_273] {strides = array<i32>} : memref<2x16x512xf32, #tpu.memory_space<vmem>>, vector<1x1x16xf32>,
      %parallel_loop3A_275 = vector.shape_cast %parallel_loop3A_274 : vector<1x1x16xf32> to vector<16xf32>
      %parallel_loop3A_276 = vector.shape_cast %parallel_loop3A_266 : vector<16xf32> to vector<1x1x16xf32>
      tpu.vector_store %arg5[%parallel_loop3A_271, %parallel_loop3A_272, %parallel_loop3A_273], %parallel_loop3A_276 {strides = array<i32>} : memref<2x16x512xf32, #tpu.memory_space<vmem>>, vector<1x1x16xf32>,
      %parallel_loop3A_277 = arith.constant 16 : i32
      %parallel_loop3A_278 = arith.muli %parallel_loop3A_191, %parallel_loop3A_277 : i32
      %parallel_loop3A_279 = arith.constant 0 : i32
      %parallel_loop3A_280 = arith.constant 3 : i32
      %parallel_loop3A_281 = arith.index_cast %parallel_loop3A_279 : i32 to index
      %parallel_loop3A_282 = arith.index_cast %parallel_loop3A_280 : i32 to index
      %parallel_loop3A_283 = arith.index_cast %parallel_loop3A_278 : i32 to index
      %parallel_loop3A_284 = tpu.vector_load %arg5[%parallel_loop3A_281, %parallel_loop3A_282, %parallel_loop3A_283] {strides = array<i32>} : memref<2x16x512xf32, #tpu.memory_space<vmem>>, vector<1x1x16xf32>,
      %parallel_loop3A_285 = vector.shape_cast %parallel_loop3A_284 : vector<1x1x16xf32> to vector<16xf32>
      %parallel_loop3A_286 = arith.constant 28 : i32
      %parallel_loop3A_287 = vector.broadcast %parallel_loop3A_286 : i32 to vector<16xi32>
      %parallel_loop3A_288 = arith.shli %parallel_loop3A_198, %parallel_loop3A_287 : vector<16xi32>
      %parallel_loop3A_289 = arith.constant 0 : i32
      %parallel_loop3A_290 = vector.broadcast %parallel_loop3A_289 : i32 to vector<16xi32>
      %parallel_loop3A_291 = arith.cmpi slt, %parallel_loop3A_288, %parallel_loop3A_290 : vector<16xi32>
      %parallel_loop3A_292 = arith.select %parallel_loop3A_291, %parallel_loop3A_285, %broadcast_in_dim3A_3 : vector<16xi1>, vector<16xf32>
      %parallel_loop3A_293 = arith.constant 16 : i32
      %parallel_loop3A_294 = arith.muli %parallel_loop3A_191, %parallel_loop3A_293 : i32
      %parallel_loop3A_295 = arith.constant 0 : i32
      %parallel_loop3A_296 = arith.constant 3 : i32
      %parallel_loop3A_297 = arith.index_cast %parallel_loop3A_295 : i32 to index
      %parallel_loop3A_298 = arith.index_cast %parallel_loop3A_296 : i32 to index
      %parallel_loop3A_299 = arith.index_cast %parallel_loop3A_294 : i32 to index
      %parallel_loop3A_300 = tpu.vector_load %arg5[%parallel_loop3A_297, %parallel_loop3A_298, %parallel_loop3A_299] {strides = array<i32>} : memref<2x16x512xf32, #tpu.memory_space<vmem>>, vector<1x1x16xf32>,
      %parallel_loop3A_301 = vector.shape_cast %parallel_loop3A_300 : vector<1x1x16xf32> to vector<16xf32>
      %parallel_loop3A_302 = vector.shape_cast %parallel_loop3A_292 : vector<16xf32> to vector<1x1x16xf32>
      tpu.vector_store %arg5[%parallel_loop3A_297, %parallel_loop3A_298, %parallel_loop3A_299], %parallel_loop3A_302 {strides = array<i32>} : memref<2x16x512xf32, #tpu.memory_space<vmem>>, vector<1x1x16xf32>,
      %parallel_loop3A_303 = arith.constant 16 : i32
      %parallel_loop3A_304 = arith.muli %parallel_loop3A_191, %parallel_loop3A_303 : i32
      %parallel_loop3A_305 = arith.constant 0 : i32
      %parallel_loop3A_306 = arith.constant 4 : i32
      %parallel_loop3A_307 = arith.index_cast %parallel_loop3A_305 : i32 to index
      %parallel_loop3A_308 = arith.index_cast %parallel_loop3A_306 : i32 to index
      %parallel_loop3A_309 = arith.index_cast %parallel_loop3A_304 : i32 to index
      %parallel_loop3A_310 = tpu.vector_load %arg5[%parallel_loop3A_307, %parallel_loop3A_308, %parallel_loop3A_309] {strides = array<i32>} : memref<2x16x512xf32, #tpu.memory_space<vmem>>, vector<1x1x16xf32>,
      %parallel_loop3A_311 = vector.shape_cast %parallel_loop3A_310 : vector<1x1x16xf32> to vector<16xf32>
      %parallel_loop3A_312 = arith.constant 27 : i32
      %parallel_loop3A_313 = vector.broadcast %parallel_loop3A_312 : i32 to vector<16xi32>
      %parallel_loop3A_314 = arith.shli %parallel_loop3A_198, %parallel_loop3A_313 : vector<16xi32>
      %parallel_loop3A_315 = arith.constant 0 : i32
      %parallel_loop3A_316 = vector.broadcast %parallel_loop3A_315 : i32 to vector<16xi32>
      %parallel_loop3A_317 = arith.cmpi slt, %parallel_loop3A_314, %parallel_loop3A_316 : vector<16xi32>
      %parallel_loop3A_318 = arith.select %parallel_loop3A_317, %parallel_loop3A_311, %broadcast_in_dim3A_3 : vector<16xi1>, vector<16xf32>
      %parallel_loop3A_319 = arith.constant 16 : i32
      %parallel_loop3A_320 = arith.muli %parallel_loop3A_191, %parallel_loop3A_319 : i32
      %parallel_loop3A_321 = arith.constant 0 : i32
      %parallel_loop3A_322 = arith.constant 4 : i32
      %parallel_loop3A_323 = arith.index_cast %parallel_loop3A_321 : i32 to index
      %parallel_loop3A_324 = arith.index_cast %parallel_loop3A_322 : i32 to index
      %parallel_loop3A_325 = arith.index_cast %parallel_loop3A_320 : i32 to index
      %parallel_loop3A_326 = tpu.vector_load %arg5[%parallel_loop3A_323, %parallel_loop3A_324, %parallel_loop3A_325] {strides = array<i32>} : memref<2x16x512xf32, #tpu.memory_space<vmem>>, vector<1x1x16xf32>,
      %parallel_loop3A_327 = vector.shape_cast %parallel_loop3A_326 : vector<1x1x16xf32> to vector<16xf32>
      %parallel_loop3A_328 = vector.shape_cast %parallel_loop3A_318 : vector<16xf32> to vector<1x1x16xf32>
      tpu.vector_store %arg5[%parallel_loop3A_323, %parallel_loop3A_324, %parallel_loop3A_325], %parallel_loop3A_328 {strides = array<i32>} : memref<2x16x512xf32, #tpu.memory_space<vmem>>, vector<1x1x16xf32>,
      %parallel_loop3A_329 = arith.constant 16 : i32
      %parallel_loop3A_330 = arith.muli %parallel_loop3A_191, %parallel_loop3A_329 : i32
      %parallel_loop3A_331 = arith.constant 0 : i32
      %parallel_loop3A_332 = arith.constant 5 : i32
      %parallel_loop3A_333 = arith.index_cast %parallel_loop3A_331 : i32 to index
      %parallel_loop3A_334 = arith.index_cast %parallel_loop3A_332 : i32 to index
      %parallel_loop3A_335 = arith.index_cast %parallel_loop3A_330 : i32 to index
      %parallel_loop3A_336 = tpu.vector_load %arg5[%parallel_loop3A_333, %parallel_loop3A_334, %parallel_loop3A_335] {strides = array<i32>} : memref<2x16x512xf32, #tpu.memory_space<vmem>>, vector<1x1x16xf32>,
      %parallel_loop3A_337 = vector.shape_cast %parallel_loop3A_336 : vector<1x1x16xf32> to vector<16xf32>
      %parallel_loop3A_338 = arith.constant 26 : i32
      %parallel_loop3A_339 = vector.broadcast %parallel_loop3A_338 : i32 to vector<16xi32>
      %parallel_loop3A_340 = arith.shli %parallel_loop3A_198, %parallel_loop3A_339 : vector<16xi32>
      %parallel_loop3A_341 = arith.constant 0 : i32
      %parallel_loop3A_342 = vector.broadcast %parallel_loop3A_341 : i32 to vector<16xi32>
      %parallel_loop3A_343 = arith.cmpi slt, %parallel_loop3A_340, %parallel_loop3A_342 : vector<16xi32>
      %parallel_loop3A_344 = arith.select %parallel_loop3A_343, %parallel_loop3A_337, %broadcast_in_dim3A_3 : vector<16xi1>, vector<16xf32>
      %parallel_loop3A_345 = arith.constant 16 : i32
      %parallel_loop3A_346 = arith.muli %parallel_loop3A_191, %parallel_loop3A_345 : i32
      %parallel_loop3A_347 = arith.constant 0 : i32
      %parallel_loop3A_348 = arith.constant 5 : i32
      %parallel_loop3A_349 = arith.index_cast %parallel_loop3A_347 : i32 to index
      %parallel_loop3A_350 = arith.index_cast %parallel_loop3A_348 : i32 to index
      %parallel_loop3A_351 = arith.index_cast %parallel_loop3A_346 : i32 to index
      %parallel_loop3A_352 = tpu.vector_load %arg5[%parallel_loop3A_349, %parallel_loop3A_350, %parallel_loop3A_351] {strides = array<i32>} : memref<2x16x512xf32, #tpu.memory_space<vmem>>, vector<1x1x16xf32>,
      %parallel_loop3A_353 = vector.shape_cast %parallel_loop3A_352 : vector<1x1x16xf32> to vector<16xf32>
      %parallel_loop3A_354 = vector.shape_cast %parallel_loop3A_344 : vector<16xf32> to vector<1x1x16xf32>
      tpu.vector_store %arg5[%parallel_loop3A_349, %parallel_loop3A_350, %parallel_loop3A_351], %parallel_loop3A_354 {strides = array<i32>} : memref<2x16x512xf32, #tpu.memory_space<vmem>>, vector<1x1x16xf32>,
      %parallel_loop3A_355 = arith.constant 16 : i32
      %parallel_loop3A_356 = arith.muli %parallel_loop3A_191, %parallel_loop3A_355 : i32
      %parallel_loop3A_357 = arith.constant 0 : i32
      %parallel_loop3A_358 = arith.constant 6 : i32
      %parallel_loop3A_359 = arith.index_cast %parallel_loop3A_357 : i32 to index
      %parallel_loop3A_360 = arith.index_cast %parallel_loop3A_358 : i32 to index
      %parallel_loop3A_361 = arith.index_cast %parallel_loop3A_356 : i32 to index
      %parallel_loop3A_362 = tpu.vector_load %arg5[%parallel_loop3A_359, %parallel_loop3A_360, %parallel_loop3A_361] {strides = array<i32>} : memref<2x16x512xf32, #tpu.memory_space<vmem>>, vector<1x1x16xf32>,
      %parallel_loop3A_363 = vector.shape_cast %parallel_loop3A_362 : vector<1x1x16xf32> to vector<16xf32>
      %parallel_loop3A_364 = arith.constant 25 : i32
      %parallel_loop3A_365 = vector.broadcast %parallel_loop3A_364 : i32 to vector<16xi32>
      %parallel_loop3A_366 = arith.shli %parallel_loop3A_198, %parallel_loop3A_365 : vector<16xi32>
      %parallel_loop3A_367 = arith.constant 0 : i32
      %parallel_loop3A_368 = vector.broadcast %parallel_loop3A_367 : i32 to vector<16xi32>
      %parallel_loop3A_369 = arith.cmpi slt, %parallel_loop3A_366, %parallel_loop3A_368 : vector<16xi32>
      %parallel_loop3A_370 = arith.select %parallel_loop3A_369, %parallel_loop3A_363, %broadcast_in_dim3A_3 : vector<16xi1>, vector<16xf32>
      %parallel_loop3A_371 = arith.constant 16 : i32
      %parallel_loop3A_372 = arith.muli %parallel_loop3A_191, %parallel_loop3A_371 : i32
      %parallel_loop3A_373 = arith.constant 0 : i32
      %parallel_loop3A_374 = arith.constant 6 : i32
      %parallel_loop3A_375 = arith.index_cast %parallel_loop3A_373 : i32 to index
      %parallel_loop3A_376 = arith.index_cast %parallel_loop3A_374 : i32 to index
      %parallel_loop3A_377 = arith.index_cast %parallel_loop3A_372 : i32 to index
      %parallel_loop3A_378 = tpu.vector_load %arg5[%parallel_loop3A_375, %parallel_loop3A_376, %parallel_loop3A_377] {strides = array<i32>} : memref<2x16x512xf32, #tpu.memory_space<vmem>>, vector<1x1x16xf32>,
      %parallel_loop3A_379 = vector.shape_cast %parallel_loop3A_378 : vector<1x1x16xf32> to vector<16xf32>
      %parallel_loop3A_380 = vector.shape_cast %parallel_loop3A_370 : vector<16xf32> to vector<1x1x16xf32>
      tpu.vector_store %arg5[%parallel_loop3A_375, %parallel_loop3A_376, %parallel_loop3A_377], %parallel_loop3A_380 {strides = array<i32>} : memref<2x16x512xf32, #tpu.memory_space<vmem>>, vector<1x1x16xf32>,
      %parallel_loop3A_381 = arith.constant 16 : i32
      %parallel_loop3A_382 = arith.muli %parallel_loop3A_191, %parallel_loop3A_381 : i32
      %parallel_loop3A_383 = arith.constant 0 : i32
      %parallel_loop3A_384 = arith.constant 7 : i32
      %parallel_loop3A_385 = arith.index_cast %parallel_loop3A_383 : i32 to index
      %parallel_loop3A_386 = arith.index_cast %parallel_loop3A_384 : i32 to index
      %parallel_loop3A_387 = arith.index_cast %parallel_loop3A_382 : i32 to index
      %parallel_loop3A_388 = tpu.vector_load %arg5[%parallel_loop3A_385, %parallel_loop3A_386, %parallel_loop3A_387] {strides = array<i32>} : memref<2x16x512xf32, #tpu.memory_space<vmem>>, vector<1x1x16xf32>,
      %parallel_loop3A_389 = vector.shape_cast %parallel_loop3A_388 : vector<1x1x16xf32> to vector<16xf32>
      %parallel_loop3A_390 = arith.constant 24 : i32
      %parallel_loop3A_391 = vector.broadcast %parallel_loop3A_390 : i32 to vector<16xi32>
      %parallel_loop3A_392 = arith.shli %parallel_loop3A_198, %parallel_loop3A_391 : vector<16xi32>
      %parallel_loop3A_393 = arith.constant 0 : i32
      %parallel_loop3A_394 = vector.broadcast %parallel_loop3A_393 : i32 to vector<16xi32>
      %parallel_loop3A_395 = arith.cmpi slt, %parallel_loop3A_392, %parallel_loop3A_394 : vector<16xi32>
      %parallel_loop3A_396 = arith.select %parallel_loop3A_395, %parallel_loop3A_389, %broadcast_in_dim3A_3 : vector<16xi1>, vector<16xf32>
      %parallel_loop3A_397 = arith.constant 16 : i32
      %parallel_loop3A_398 = arith.muli %parallel_loop3A_191, %parallel_loop3A_397 : i32
      %parallel_loop3A_399 = arith.constant 0 : i32
      %parallel_loop3A_400 = arith.constant 7 : i32
      %parallel_loop3A_401 = arith.index_cast %parallel_loop3A_399 : i32 to index
      %parallel_loop3A_402 = arith.index_cast %parallel_loop3A_400 : i32 to index
      %parallel_loop3A_403 = arith.index_cast %parallel_loop3A_398 : i32 to index
      %parallel_loop3A_404 = tpu.vector_load %arg5[%parallel_loop3A_401, %parallel_loop3A_402, %parallel_loop3A_403] {strides = array<i32>} : memref<2x16x512xf32, #tpu.memory_space<vmem>>, vector<1x1x16xf32>,
      %parallel_loop3A_405 = vector.shape_cast %parallel_loop3A_404 : vector<1x1x16xf32> to vector<16xf32>
      %parallel_loop3A_406 = vector.shape_cast %parallel_loop3A_396 : vector<16xf32> to vector<1x1x16xf32>
      tpu.vector_store %arg5[%parallel_loop3A_401, %parallel_loop3A_402, %parallel_loop3A_403], %parallel_loop3A_406 {strides = array<i32>} : memref<2x16x512xf32, #tpu.memory_space<vmem>>, vector<1x1x16xf32>,
      %parallel_loop3A_407 = arith.constant 16 : i32
      %parallel_loop3A_408 = arith.muli %parallel_loop3A_191, %parallel_loop3A_407 : i32
      %parallel_loop3A_409 = arith.constant 0 : i32
      %parallel_loop3A_410 = arith.constant 8 : i32
      %parallel_loop3A_411 = arith.index_cast %parallel_loop3A_409 : i32 to index
      %parallel_loop3A_412 = arith.index_cast %parallel_loop3A_410 : i32 to index
      %parallel_loop3A_413 = arith.index_cast %parallel_loop3A_408 : i32 to index
      %parallel_loop3A_414 = tpu.vector_load %arg5[%parallel_loop3A_411, %parallel_loop3A_412, %parallel_loop3A_413] {strides = array<i32>} : memref<2x16x512xf32, #tpu.memory_space<vmem>>, vector<1x1x16xf32>,
      %parallel_loop3A_415 = vector.shape_cast %parallel_loop3A_414 : vector<1x1x16xf32> to vector<16xf32>
      %parallel_loop3A_416 = arith.constant 23 : i32
      %parallel_loop3A_417 = vector.broadcast %parallel_loop3A_416 : i32 to vector<16xi32>
      %parallel_loop3A_418 = arith.shli %parallel_loop3A_198, %parallel_loop3A_417 : vector<16xi32>
      %parallel_loop3A_419 = arith.constant 0 : i32
      %parallel_loop3A_420 = vector.broadcast %parallel_loop3A_419 : i32 to vector<16xi32>
      %parallel_loop3A_421 = arith.cmpi slt, %parallel_loop3A_418, %parallel_loop3A_420 : vector<16xi32>
      %parallel_loop3A_422 = arith.select %parallel_loop3A_421, %parallel_loop3A_415, %broadcast_in_dim3A_3 : vector<16xi1>, vector<16xf32>
      %parallel_loop3A_423 = arith.constant 16 : i32
      %parallel_loop3A_424 = arith.muli %parallel_loop3A_191, %parallel_loop3A_423 : i32
      %parallel_loop3A_425 = arith.constant 0 : i32
      %parallel_loop3A_426 = arith.constant 8 : i32
      %parallel_loop3A_427 = arith.index_cast %parallel_loop3A_425 : i32 to index
      %parallel_loop3A_428 = arith.index_cast %parallel_loop3A_426 : i32 to index
      %parallel_loop3A_429 = arith.index_cast %parallel_loop3A_424 : i32 to index
      %parallel_loop3A_430 = tpu.vector_load %arg5[%parallel_loop3A_427, %parallel_loop3A_428, %parallel_loop3A_429] {strides = array<i32>} : memref<2x16x512xf32, #tpu.memory_space<vmem>>, vector<1x1x16xf32>,
      %parallel_loop3A_431 = vector.shape_cast %parallel_loop3A_430 : vector<1x1x16xf32> to vector<16xf32>
      %parallel_loop3A_432 = vector.shape_cast %parallel_loop3A_422 : vector<16xf32> to vector<1x1x16xf32>
      tpu.vector_store %arg5[%parallel_loop3A_427, %parallel_loop3A_428, %parallel_loop3A_429], %parallel_loop3A_432 {strides = array<i32>} : memref<2x16x512xf32, #tpu.memory_space<vmem>>, vector<1x1x16xf32>,
      %parallel_loop3A_433 = arith.constant 16 : i32
      %parallel_loop3A_434 = arith.muli %parallel_loop3A_191, %parallel_loop3A_433 : i32
      %parallel_loop3A_435 = arith.constant 0 : i32
      %parallel_loop3A_436 = arith.constant 9 : i32
      %parallel_loop3A_437 = arith.index_cast %parallel_loop3A_435 : i32 to index
      %parallel_loop3A_438 = arith.index_cast %parallel_loop3A_436 : i32 to index
      %parallel_loop3A_439 = arith.index_cast %parallel_loop3A_434 : i32 to index
      %parallel_loop3A_440 = tpu.vector_load %arg5[%parallel_loop3A_437, %parallel_loop3A_438, %parallel_loop3A_439] {strides = array<i32>} : memref<2x16x512xf32, #tpu.memory_space<vmem>>, vector<1x1x16xf32>,
      %parallel_loop3A_441 = vector.shape_cast %parallel_loop3A_440 : vector<1x1x16xf32> to vector<16xf32>
      %parallel_loop3A_442 = arith.constant 22 : i32
      %parallel_loop3A_443 = vector.broadcast %parallel_loop3A_442 : i32 to vector<16xi32>
      %parallel_loop3A_444 = arith.shli %parallel_loop3A_198, %parallel_loop3A_443 : vector<16xi32>
      %parallel_loop3A_445 = arith.constant 0 : i32
      %parallel_loop3A_446 = vector.broadcast %parallel_loop3A_445 : i32 to vector<16xi32>
      %parallel_loop3A_447 = arith.cmpi slt, %parallel_loop3A_444, %parallel_loop3A_446 : vector<16xi32>
      %parallel_loop3A_448 = arith.select %parallel_loop3A_447, %parallel_loop3A_441, %broadcast_in_dim3A_3 : vector<16xi1>, vector<16xf32>
      %parallel_loop3A_449 = arith.constant 16 : i32
      %parallel_loop3A_450 = arith.muli %parallel_loop3A_191, %parallel_loop3A_449 : i32
      %parallel_loop3A_451 = arith.constant 0 : i32
      %parallel_loop3A_452 = arith.constant 9 : i32
      %parallel_loop3A_453 = arith.index_cast %parallel_loop3A_451 : i32 to index
      %parallel_loop3A_454 = arith.index_cast %parallel_loop3A_452 : i32 to index
      %parallel_loop3A_455 = arith.index_cast %parallel_loop3A_450 : i32 to index
      %parallel_loop3A_456 = tpu.vector_load %arg5[%parallel_loop3A_453, %parallel_loop3A_454, %parallel_loop3A_455] {strides = array<i32>} : memref<2x16x512xf32, #tpu.memory_space<vmem>>, vector<1x1x16xf32>,
      %parallel_loop3A_457 = vector.shape_cast %parallel_loop3A_456 : vector<1x1x16xf32> to vector<16xf32>
      %parallel_loop3A_458 = vector.shape_cast %parallel_loop3A_448 : vector<16xf32> to vector<1x1x16xf32>
      tpu.vector_store %arg5[%parallel_loop3A_453, %parallel_loop3A_454, %parallel_loop3A_455], %parallel_loop3A_458 {strides = array<i32>} : memref<2x16x512xf32, #tpu.memory_space<vmem>>, vector<1x1x16xf32>,
      %parallel_loop3A_459 = arith.constant 16 : i32
      %parallel_loop3A_460 = arith.muli %parallel_loop3A_191, %parallel_loop3A_459 : i32
      %parallel_loop3A_461 = arith.constant 0 : i32
      %parallel_loop3A_462 = arith.constant 10 : i32
      %parallel_loop3A_463 = arith.index_cast %parallel_loop3A_461 : i32 to index
      %parallel_loop3A_464 = arith.index_cast %parallel_loop3A_462 : i32 to index
      %parallel_loop3A_465 = arith.index_cast %parallel_loop3A_460 : i32 to index
      %parallel_loop3A_466 = tpu.vector_load %arg5[%parallel_loop3A_463, %parallel_loop3A_464, %parallel_loop3A_465] {strides = array<i32>} : memref<2x16x512xf32, #tpu.memory_space<vmem>>, vector<1x1x16xf32>,
      %parallel_loop3A_467 = vector.shape_cast %parallel_loop3A_466 : vector<1x1x16xf32> to vector<16xf32>
      %parallel_loop3A_468 = arith.constant 21 : i32
      %parallel_loop3A_469 = vector.broadcast %parallel_loop3A_468 : i32 to vector<16xi32>
      %parallel_loop3A_470 = arith.shli %parallel_loop3A_198, %parallel_loop3A_469 : vector<16xi32>
      %parallel_loop3A_471 = arith.constant 0 : i32
      %parallel_loop3A_472 = vector.broadcast %parallel_loop3A_471 : i32 to vector<16xi32>
      %parallel_loop3A_473 = arith.cmpi slt, %parallel_loop3A_470, %parallel_loop3A_472 : vector<16xi32>
      %parallel_loop3A_474 = arith.select %parallel_loop3A_473, %parallel_loop3A_467, %broadcast_in_dim3A_3 : vector<16xi1>, vector<16xf32>
      %parallel_loop3A_475 = arith.constant 16 : i32
      %parallel_loop3A_476 = arith.muli %parallel_loop3A_191, %parallel_loop3A_475 : i32
      %parallel_loop3A_477 = arith.constant 0 : i32
      %parallel_loop3A_478 = arith.constant 10 : i32
      %parallel_loop3A_479 = arith.index_cast %parallel_loop3A_477 : i32 to index
      %parallel_loop3A_480 = arith.index_cast %parallel_loop3A_478 : i32 to index
      %parallel_loop3A_481 = arith.index_cast %parallel_loop3A_476 : i32 to index
      %parallel_loop3A_482 = tpu.vector_load %arg5[%parallel_loop3A_479, %parallel_loop3A_480, %parallel_loop3A_481] {strides = array<i32>} : memref<2x16x512xf32, #tpu.memory_space<vmem>>, vector<1x1x16xf32>,
      %parallel_loop3A_483 = vector.shape_cast %parallel_loop3A_482 : vector<1x1x16xf32> to vector<16xf32>
      %parallel_loop3A_484 = vector.shape_cast %parallel_loop3A_474 : vector<16xf32> to vector<1x1x16xf32>
      tpu.vector_store %arg5[%parallel_loop3A_479, %parallel_loop3A_480, %parallel_loop3A_481], %parallel_loop3A_484 {strides = array<i32>} : memref<2x16x512xf32, #tpu.memory_space<vmem>>, vector<1x1x16xf32>,
      %parallel_loop3A_485 = arith.constant 16 : i32
      %parallel_loop3A_486 = arith.muli %parallel_loop3A_191, %parallel_loop3A_485 : i32
      %parallel_loop3A_487 = arith.constant 0 : i32
      %parallel_loop3A_488 = arith.constant 11 : i32
      %parallel_loop3A_489 = arith.index_cast %parallel_loop3A_487 : i32 to index
      %parallel_loop3A_490 = arith.index_cast %parallel_loop3A_488 : i32 to index
      %parallel_loop3A_491 = arith.index_cast %parallel_loop3A_486 : i32 to index
      %parallel_loop3A_492 = tpu.vector_load %arg5[%parallel_loop3A_489, %parallel_loop3A_490, %parallel_loop3A_491] {strides = array<i32>} : memref<2x16x512xf32, #tpu.memory_space<vmem>>, vector<1x1x16xf32>,
      %parallel_loop3A_493 = vector.shape_cast %parallel_loop3A_492 : vector<1x1x16xf32> to vector<16xf32>
      %parallel_loop3A_494 = arith.constant 20 : i32
      %parallel_loop3A_495 = vector.broadcast %parallel_loop3A_494 : i32 to vector<16xi32>
      %parallel_loop3A_496 = arith.shli %parallel_loop3A_198, %parallel_loop3A_495 : vector<16xi32>
      %parallel_loop3A_497 = arith.constant 0 : i32
      %parallel_loop3A_498 = vector.broadcast %parallel_loop3A_497 : i32 to vector<16xi32>
      %parallel_loop3A_499 = arith.cmpi slt, %parallel_loop3A_496, %parallel_loop3A_498 : vector<16xi32>
      %parallel_loop3A_500 = arith.select %parallel_loop3A_499, %parallel_loop3A_493, %broadcast_in_dim3A_3 : vector<16xi1>, vector<16xf32>
      %parallel_loop3A_501 = arith.constant 16 : i32
      %parallel_loop3A_502 = arith.muli %parallel_loop3A_191, %parallel_loop3A_501 : i32
      %parallel_loop3A_503 = arith.constant 0 : i32
      %parallel_loop3A_504 = arith.constant 11 : i32
      %parallel_loop3A_505 = arith.index_cast %parallel_loop3A_503 : i32 to index
      %parallel_loop3A_506 = arith.index_cast %parallel_loop3A_504 : i32 to index
      %parallel_loop3A_507 = arith.index_cast %parallel_loop3A_502 : i32 to index
      %parallel_loop3A_508 = tpu.vector_load %arg5[%parallel_loop3A_505, %parallel_loop3A_506, %parallel_loop3A_507] {strides = array<i32>} : memref<2x16x512xf32, #tpu.memory_space<vmem>>, vector<1x1x16xf32>,
      %parallel_loop3A_509 = vector.shape_cast %parallel_loop3A_508 : vector<1x1x16xf32> to vector<16xf32>
      %parallel_loop3A_510 = vector.shape_cast %parallel_loop3A_500 : vector<16xf32> to vector<1x1x16xf32>
      tpu.vector_store %arg5[%parallel_loop3A_505, %parallel_loop3A_506, %parallel_loop3A_507], %parallel_loop3A_510 {strides = array<i32>} : memref<2x16x512xf32, #tpu.memory_space<vmem>>, vector<1x1x16xf32>,
      %parallel_loop3A_511 = arith.constant 16 : i32
      %parallel_loop3A_512 = arith.muli %parallel_loop3A_191, %parallel_loop3A_511 : i32
      %parallel_loop3A_513 = arith.constant 0 : i32
      %parallel_loop3A_514 = arith.constant 12 : i32
      %parallel_loop3A_515 = arith.index_cast %parallel_loop3A_513 : i32 to index
      %parallel_loop3A_516 = arith.index_cast %parallel_loop3A_514 : i32 to index
      %parallel_loop3A_517 = arith.index_cast %parallel_loop3A_512 : i32 to index
      %parallel_loop3A_518 = tpu.vector_load %arg5[%parallel_loop3A_515, %parallel_loop3A_516, %parallel_loop3A_517] {strides = array<i32>} : memref<2x16x512xf32, #tpu.memory_space<vmem>>, vector<1x1x16xf32>,
      %parallel_loop3A_519 = vector.shape_cast %parallel_loop3A_518 : vector<1x1x16xf32> to vector<16xf32>
      %parallel_loop3A_520 = arith.constant 19 : i32
      %parallel_loop3A_521 = vector.broadcast %parallel_loop3A_520 : i32 to vector<16xi32>
      %parallel_loop3A_522 = arith.shli %parallel_loop3A_198, %parallel_loop3A_521 : vector<16xi32>
      %parallel_loop3A_523 = arith.constant 0 : i32
      %parallel_loop3A_524 = vector.broadcast %parallel_loop3A_523 : i32 to vector<16xi32>
      %parallel_loop3A_525 = arith.cmpi slt, %parallel_loop3A_522, %parallel_loop3A_524 : vector<16xi32>
      %parallel_loop3A_526 = arith.select %parallel_loop3A_525, %parallel_loop3A_519, %broadcast_in_dim3A_3 : vector<16xi1>, vector<16xf32>
      %parallel_loop3A_527 = arith.constant 16 : i32
      %parallel_loop3A_528 = arith.muli %parallel_loop3A_191, %parallel_loop3A_527 : i32
      %parallel_loop3A_529 = arith.constant 0 : i32
      %parallel_loop3A_530 = arith.constant 12 : i32
      %parallel_loop3A_531 = arith.index_cast %parallel_loop3A_529 : i32 to index
      %parallel_loop3A_532 = arith.index_cast %parallel_loop3A_530 : i32 to index
      %parallel_loop3A_533 = arith.index_cast %parallel_loop3A_528 : i32 to index
      %parallel_loop3A_534 = tpu.vector_load %arg5[%parallel_loop3A_531, %parallel_loop3A_532, %parallel_loop3A_533] {strides = array<i32>} : memref<2x16x512xf32, #tpu.memory_space<vmem>>, vector<1x1x16xf32>,
      %parallel_loop3A_535 = vector.shape_cast %parallel_loop3A_534 : vector<1x1x16xf32> to vector<16xf32>
      %parallel_loop3A_536 = vector.shape_cast %parallel_loop3A_526 : vector<16xf32> to vector<1x1x16xf32>
      tpu.vector_store %arg5[%parallel_loop3A_531, %parallel_loop3A_532, %parallel_loop3A_533], %parallel_loop3A_536 {strides = array<i32>} : memref<2x16x512xf32, #tpu.memory_space<vmem>>, vector<1x1x16xf32>,
      %parallel_loop3A_537 = arith.constant 16 : i32
      %parallel_loop3A_538 = arith.muli %parallel_loop3A_191, %parallel_loop3A_537 : i32
      %parallel_loop3A_539 = arith.constant 0 : i32
      %parallel_loop3A_540 = arith.constant 13 : i32
      %parallel_loop3A_541 = arith.index_cast %parallel_loop3A_539 : i32 to index
      %parallel_loop3A_542 = arith.index_cast %parallel_loop3A_540 : i32 to index
      %parallel_loop3A_543 = arith.index_cast %parallel_loop3A_538 : i32 to index
      %parallel_loop3A_544 = tpu.vector_load %arg5[%parallel_loop3A_541, %parallel_loop3A_542, %parallel_loop3A_543] {strides = array<i32>} : memref<2x16x512xf32, #tpu.memory_space<vmem>>, vector<1x1x16xf32>,
      %parallel_loop3A_545 = vector.shape_cast %parallel_loop3A_544 : vector<1x1x16xf32> to vector<16xf32>
      %parallel_loop3A_546 = arith.constant 18 : i32
      %parallel_loop3A_547 = vector.broadcast %parallel_loop3A_546 : i32 to vector<16xi32>
      %parallel_loop3A_548 = arith.shli %parallel_loop3A_198, %parallel_loop3A_547 : vector<16xi32>
      %parallel_loop3A_549 = arith.constant 0 : i32
      %parallel_loop3A_550 = vector.broadcast %parallel_loop3A_549 : i32 to vector<16xi32>
      %parallel_loop3A_551 = arith.cmpi slt, %parallel_loop3A_548, %parallel_loop3A_550 : vector<16xi32>
      %parallel_loop3A_552 = arith.select %parallel_loop3A_551, %parallel_loop3A_545, %broadcast_in_dim3A_3 : vector<16xi1>, vector<16xf32>
      %parallel_loop3A_553 = arith.constant 16 : i32
      %parallel_loop3A_554 = arith.muli %parallel_loop3A_191, %parallel_loop3A_553 : i32
      %parallel_loop3A_555 = arith.constant 0 : i32
      %parallel_loop3A_556 = arith.constant 13 : i32
      %parallel_loop3A_557 = arith.index_cast %parallel_loop3A_555 : i32 to index
      %parallel_loop3A_558 = arith.index_cast %parallel_loop3A_556 : i32 to index
      %parallel_loop3A_559 = arith.index_cast %parallel_loop3A_554 : i32 to index
      %parallel_loop3A_560 = tpu.vector_load %arg5[%parallel_loop3A_557, %parallel_loop3A_558, %parallel_loop3A_559] {strides = array<i32>} : memref<2x16x512xf32, #tpu.memory_space<vmem>>, vector<1x1x16xf32>,
      %parallel_loop3A_561 = vector.shape_cast %parallel_loop3A_560 : vector<1x1x16xf32> to vector<16xf32>
      %parallel_loop3A_562 = vector.shape_cast %parallel_loop3A_552 : vector<16xf32> to vector<1x1x16xf32>
      tpu.vector_store %arg5[%parallel_loop3A_557, %parallel_loop3A_558, %parallel_loop3A_559], %parallel_loop3A_562 {strides = array<i32>} : memref<2x16x512xf32, #tpu.memory_space<vmem>>, vector<1x1x16xf32>,
      %parallel_loop3A_563 = arith.constant 16 : i32
      %parallel_loop3A_564 = arith.muli %parallel_loop3A_191, %parallel_loop3A_563 : i32
      %parallel_loop3A_565 = arith.constant 0 : i32
      %parallel_loop3A_566 = arith.constant 14 : i32
      %parallel_loop3A_567 = arith.index_cast %parallel_loop3A_565 : i32 to index
      %parallel_loop3A_568 = arith.index_cast %parallel_loop3A_566 : i32 to index
      %parallel_loop3A_569 = arith.index_cast %parallel_loop3A_564 : i32 to index
      %parallel_loop3A_570 = tpu.vector_load %arg5[%parallel_loop3A_567, %parallel_loop3A_568, %parallel_loop3A_569] {strides = array<i32>} : memref<2x16x512xf32, #tpu.memory_space<vmem>>, vector<1x1x16xf32>,
      %parallel_loop3A_571 = vector.shape_cast %parallel_loop3A_570 : vector<1x1x16xf32> to vector<16xf32>
      %parallel_loop3A_572 = arith.constant 17 : i32
      %parallel_loop3A_573 = vector.broadcast %parallel_loop3A_572 : i32 to vector<16xi32>
      %parallel_loop3A_574 = arith.shli %parallel_loop3A_198, %parallel_loop3A_573 : vector<16xi32>
      %parallel_loop3A_575 = arith.constant 0 : i32
      %parallel_loop3A_576 = vector.broadcast %parallel_loop3A_575 : i32 to vector<16xi32>
      %parallel_loop3A_577 = arith.cmpi slt, %parallel_loop3A_574, %parallel_loop3A_576 : vector<16xi32>
      %parallel_loop3A_578 = arith.select %parallel_loop3A_577, %parallel_loop3A_571, %broadcast_in_dim3A_3 : vector<16xi1>, vector<16xf32>
      %parallel_loop3A_579 = arith.constant 16 : i32
      %parallel_loop3A_580 = arith.muli %parallel_loop3A_191, %parallel_loop3A_579 : i32
      %parallel_loop3A_581 = arith.constant 0 : i32
      %parallel_loop3A_582 = arith.constant 14 : i32
      %parallel_loop3A_583 = arith.index_cast %parallel_loop3A_581 : i32 to index
      %parallel_loop3A_584 = arith.index_cast %parallel_loop3A_582 : i32 to index
      %parallel_loop3A_585 = arith.index_cast %parallel_loop3A_580 : i32 to index
      %parallel_loop3A_586 = tpu.vector_load %arg5[%parallel_loop3A_583, %parallel_loop3A_584, %parallel_loop3A_585] {strides = array<i32>} : memref<2x16x512xf32, #tpu.memory_space<vmem>>, vector<1x1x16xf32>,
      %parallel_loop3A_587 = vector.shape_cast %parallel_loop3A_586 : vector<1x1x16xf32> to vector<16xf32>
      %parallel_loop3A_588 = vector.shape_cast %parallel_loop3A_578 : vector<16xf32> to vector<1x1x16xf32>
      tpu.vector_store %arg5[%parallel_loop3A_583, %parallel_loop3A_584, %parallel_loop3A_585], %parallel_loop3A_588 {strides = array<i32>} : memref<2x16x512xf32, #tpu.memory_space<vmem>>, vector<1x1x16xf32>,
      %parallel_loop3A_589 = arith.constant 16 : i32
      %parallel_loop3A_590 = arith.muli %parallel_loop3A_191, %parallel_loop3A_589 : i32
      %parallel_loop3A_591 = arith.constant 0 : i32
      %parallel_loop3A_592 = arith.constant 15 : i32
      %parallel_loop3A_593 = arith.index_cast %parallel_loop3A_591 : i32 to index
      %parallel_loop3A_594 = arith.index_cast %parallel_loop3A_592 : i32 to index
      %parallel_loop3A_595 = arith.index_cast %parallel_loop3A_590 : i32 to index
      %parallel_loop3A_596 = tpu.vector_load %arg5[%parallel_loop3A_593, %parallel_loop3A_594, %parallel_loop3A_595] {strides = array<i32>} : memref<2x16x512xf32, #tpu.memory_space<vmem>>, vector<1x1x16xf32>,
      %parallel_loop3A_597 = vector.shape_cast %parallel_loop3A_596 : vector<1x1x16xf32> to vector<16xf32>
      %parallel_loop3A_598 = arith.constant 16 : i32
      %parallel_loop3A_599 = vector.broadcast %parallel_loop3A_598 : i32 to vector<16xi32>
      %parallel_loop3A_600 = arith.shli %parallel_loop3A_198, %parallel_loop3A_599 : vector<16xi32>
      %parallel_loop3A_601 = arith.constant 0 : i32
      %parallel_loop3A_602 = vector.broadcast %parallel_loop3A_601 : i32 to vector<16xi32>
      %parallel_loop3A_603 = arith.cmpi slt, %parallel_loop3A_600, %parallel_loop3A_602 : vector<16xi32>
      %parallel_loop3A_604 = arith.select %parallel_loop3A_603, %parallel_loop3A_597, %broadcast_in_dim3A_3 : vector<16xi1>, vector<16xf32>
      %parallel_loop3A_605 = arith.constant 16 : i32
      %parallel_loop3A_606 = arith.muli %parallel_loop3A_191, %parallel_loop3A_605 : i32
      %parallel_loop3A_607 = arith.constant 0 : i32
      %parallel_loop3A_608 = arith.constant 15 : i32
      %parallel_loop3A_609 = arith.index_cast %parallel_loop3A_607 : i32 to index
      %parallel_loop3A_610 = arith.index_cast %parallel_loop3A_608 : i32 to index
      %parallel_loop3A_611 = arith.index_cast %parallel_loop3A_606 : i32 to index
      %parallel_loop3A_612 = tpu.vector_load %arg5[%parallel_loop3A_609, %parallel_loop3A_610, %parallel_loop3A_611] {strides = array<i32>} : memref<2x16x512xf32, #tpu.memory_space<vmem>>, vector<1x1x16xf32>,
      %parallel_loop3A_613 = vector.shape_cast %parallel_loop3A_612 : vector<1x1x16xf32> to vector<16xf32>
      %parallel_loop3A_614 = vector.shape_cast %parallel_loop3A_604 : vector<16xf32> to vector<1x1x16xf32>
      tpu.vector_store %arg5[%parallel_loop3A_609, %parallel_loop3A_610, %parallel_loop3A_611], %parallel_loop3A_614 {strides = array<i32>} : memref<2x16x512xf32, #tpu.memory_space<vmem>>, vector<1x1x16xf32>,
    } {sc.loop_unroll_factor = 1 : i64, sc.parallel_access}
    %add3A_92 = arith.constant 0 : i32
    %add3A_93 = arith.addi %multiple_of3A, %add3A_92 : i32
    %dma_start3A_94 = arith.constant 0 : i32
    %dma_start3A_95 = arith.constant 0 : i32
    %dma_start3A_96 = arith.constant 0 : i32
    %dma_start3A_97 = arith.constant 0 : i32
    %dma_start3A_98 = tpu.memref_slice %arg5[%dma_start3A_94, %dma_start3A_96, %dma_start3A_97] : memref<2x16x512xf32, #tpu.memory_space<vmem>> -> memref<1x16x512xf32, #tpu.memory_space<vmem>>
    %dma_start3A_99 = tpu.memref_squeeze %dma_start3A_98 : memref<1x16x512xf32, #tpu.memory_space<vmem>> -> memref<16x512xf32, #tpu.memory_space<vmem>>
    %dma_start3A_100 = arith.constant 0 : i32
    %dma_start3A_101 = tpu.memref_slice %arg4[%dma_start3A_100, %add3A_93] : memref<16x32768xf32, #tpu.memory_space<hbm>> -> memref<16x512xf32, #tpu.memory_space<hbm>>
    %dma_start3A_102 = tpu.memref_slice %arg9[%dma_start3A_95] : memref<2x!tpu.dma_semaphore, #tpu.memory_space<semaphore_mem>> -> memref<1x!tpu.dma_semaphore, #tpu.memory_space<semaphore_mem>>
    %dma_start3A_103 = tpu.memref_squeeze %dma_start3A_102 : memref<1x!tpu.dma_semaphore, #tpu.memory_space<semaphore_mem>> -> memref<!tpu.dma_semaphore, #tpu.memory_space<semaphore_mem>>
    %dma_start3A_104 = arith.constant 0 : i32
    %dma_start3A_105 = tpu.memref_slice %arg4[%dma_start3A_104, %add3A_93] : memref<16x32768xf32, #tpu.memory_space<hbm>> -> memref<16x512xf32, #tpu.memory_space<hbm>>
    %dma_start3A_106 = arith.constant 0 : i32
    %dma_start3A_107 = arith.constant 0 : i32
    %dma_start3A_108 = tpu.memref_slice %arg5[%dma_start3A_94, %dma_start3A_106, %dma_start3A_107] : memref<2x16x512xf32, #tpu.memory_space<vmem>> -> memref<1x16x512xf32, #tpu.memory_space<vmem>>
    %dma_start3A_109 = tpu.memref_squeeze %dma_start3A_108 : memref<1x16x512xf32, #tpu.memory_space<vmem>> -> memref<16x512xf32, #tpu.memory_space<vmem>>
    tpu.enqueue_dma source(%dma_start3A_109 : memref<16x512xf32, #tpu.memory_space<vmem>>) target(%dma_start3A_105 : memref<16x512xf32, #tpu.memory_space<hbm>>) target_semaphore(%dma_start3A_103 : memref<!tpu.dma_semaphore, #tpu.memory_space<semaphore_mem>>)
    %dma_wait3A_110 = arith.constant 1 : i32
    %dma_wait3A_111 = arith.constant 1 : i32
    %dma_wait3A_112 = arith.constant 0 : i32
    %dma_wait3A_113 = arith.constant 0 : i32
    %dma_wait3A_114 = tpu.memref_slice %arg5[%dma_wait3A_110, %dma_wait3A_112, %dma_wait3A_113] : memref<2x16x512xf32, #tpu.memory_space<vmem>> -> memref<1x16x512xf32, #tpu.memory_space<vmem>>
    %dma_wait3A_115 = tpu.memref_squeeze %dma_wait3A_114 : memref<1x16x512xf32, #tpu.memory_space<vmem>> -> memref<16x512xf32, #tpu.memory_space<vmem>>
    %dma_wait3A_116 = arith.constant 0 : i32
    %dma_wait3A_117 = tpu.memref_slice %arg2[%dma_wait3A_116, %add3A_34] : memref<64x32768xf32, #tpu.memory_space<hbm>> -> memref<16x512xf32, #tpu.memory_space<hbm>>
    %dma_wait3A_118 = tpu.memref_slice %arg7[%dma_wait3A_111] : memref<2x!tpu.dma_semaphore, #tpu.memory_space<semaphore_mem>> -> memref<1x!tpu.dma_semaphore, #tpu.memory_space<semaphore_mem>>
    %dma_wait3A_119 = tpu.memref_squeeze %dma_wait3A_118 : memref<1x!tpu.dma_semaphore, #tpu.memory_space<semaphore_mem>> -> memref<!tpu.dma_semaphore, #tpu.memory_space<semaphore_mem>>
    %dma_wait3A_120 = arith.constant 0 : i32
    %dma_wait3A_121 = arith.constant 0 : i32
    %dma_wait3A_122 = tpu.memref_slice %arg5[%dma_wait3A_110, %dma_wait3A_120, %dma_wait3A_121] : memref<2x16x512xf32, #tpu.memory_space<vmem>> -> memref<1x16x512xf32, #tpu.memory_space<vmem>>
    %dma_wait3A_123 = tpu.memref_squeeze %dma_wait3A_122 : memref<1x16x512xf32, #tpu.memory_space<vmem>> -> memref<16x512xf32, #tpu.memory_space<vmem>>
    %dma_wait3A_124 = arith.constant 0 : i32
    %dma_wait3A_125 = tpu.memref_slice %arg2[%dma_wait3A_124, %add3A_34] : memref<64x32768xf32, #tpu.memory_space<hbm>> -> memref<16x512xf32, #tpu.memory_space<hbm>>
    tpu.wait_dma2 semaphore(%dma_wait3A_119 : memref<!tpu.dma_semaphore, #tpu.memory_space<semaphore_mem>>) src(%dma_wait3A_125 : memref<16x512xf32, #tpu.memory_space<hbm>>) dst(%dma_wait3A_123 : memref<16x512xf32, #tpu.memory_space<vmem>>)
    %dma_wait3A_126 = arith.constant 1 : i32
    %dma_wait3A_127 = arith.constant 1 : i32
    %dma_wait3A_128 = arith.constant 0 : i32
    %dma_wait3A_129 = tpu.memref_slice %arg6[%dma_wait3A_126, %dma_wait3A_128] : memref<2x512xi32, #tpu.memory_space<vmem>> -> memref<1x512xi32, #tpu.memory_space<vmem>>
    %dma_wait3A_130 = tpu.memref_squeeze %dma_wait3A_129 : memref<1x512xi32, #tpu.memory_space<vmem>> -> memref<512xi32, #tpu.memory_space<vmem>>
    %dma_wait3A_131 = tpu.memref_slice %arg3[%add3A_34] : memref<32768xi32, #tpu.memory_space<hbm>> -> memref<512xi32, #tpu.memory_space<hbm>>
    %dma_wait3A_132 = tpu.memref_slice %arg8[%dma_wait3A_127] : memref<2x!tpu.dma_semaphore, #tpu.memory_space<semaphore_mem>> -> memref<1x!tpu.dma_semaphore, #tpu.memory_space<semaphore_mem>>
    %dma_wait3A_133 = tpu.memref_squeeze %dma_wait3A_132 : memref<1x!tpu.dma_semaphore, #tpu.memory_space<semaphore_mem>> -> memref<!tpu.dma_semaphore, #tpu.memory_space<semaphore_mem>>
    %dma_wait3A_134 = arith.constant 0 : i32
    %dma_wait3A_135 = tpu.memref_slice %arg6[%dma_wait3A_126, %dma_wait3A_134] : memref<2x512xi32, #tpu.memory_space<vmem>> -> memref<1x512xi32, #tpu.memory_space<vmem>>
    %dma_wait3A_136 = tpu.memref_squeeze %dma_wait3A_135 : memref<1x512xi32, #tpu.memory_space<vmem>> -> memref<512xi32, #tpu.memory_space<vmem>>
    %dma_wait3A_137 = tpu.memref_slice %arg3[%add3A_34] : memref<32768xi32, #tpu.memory_space<hbm>> -> memref<512xi32, #tpu.memory_space<hbm>>
    tpu.wait_dma2 semaphore(%dma_wait3A_133 : memref<!tpu.dma_semaphore, #tpu.memory_space<semaphore_mem>>) src(%dma_wait3A_137 : memref<512xi32, #tpu.memory_space<hbm>>) dst(%dma_wait3A_136 : memref<512xi32, #tpu.memory_space<vmem>>)
    %parallel_loop3A_138 = arith.constant 0 : i32
    %parallel_loop3A_139 = arith.constant 32 : i32
    %parallel_loop3A_140 = arith.constant 1 : i32
    scf.for %parallel_loop3A_191 = %parallel_loop3A_138 to %parallel_loop3A_139 step %parallel_loop3A_140  : i32 {
      %parallel_loop3A_192 = arith.constant 16 : i32
      %parallel_loop3A_193 = arith.muli %parallel_loop3A_191, %parallel_loop3A_192 : i32
      %parallel_loop3A_194 = arith.constant 1 : i32
      %parallel_loop3A_195 = arith.index_cast %parallel_loop3A_194 : i32 to index
      %parallel_loop3A_196 = arith.index_cast %parallel_loop3A_193 : i32 to index
      %parallel_loop3A_197 = tpu.vector_load %arg6[%parallel_loop3A_195, %parallel_loop3A_196] {strides = array<i32>} : memref<2x512xi32, #tpu.memory_space<vmem>>, vector<1x16xi32>,
      %parallel_loop3A_198 = vector.shape_cast %parallel_loop3A_197 : vector<1x16xi32> to vector<16xi32>
      %parallel_loop3A_199 = arith.constant 16 : i32
      %parallel_loop3A_200 = arith.muli %parallel_loop3A_191, %parallel_loop3A_199 : i32
      %parallel_loop3A_201 = arith.constant 1 : i32
      %parallel_loop3A_202 = arith.constant 0 : i32
      %parallel_loop3A_203 = arith.index_cast %parallel_loop3A_201 : i32 to index
      %parallel_loop3A_204 = arith.index_cast %parallel_loop3A_202 : i32 to index
      %parallel_loop3A_205 = arith.index_cast %parallel_loop3A_200 : i32 to index
      %parallel_loop3A_206 = tpu.vector_load %arg5[%parallel_loop3A_203, %parallel_loop3A_204, %parallel_loop3A_205] {strides = array<i32>} : memref<2x16x512xf32, #tpu.memory_space<vmem>>, vector<1x1x16xf32>,
      %parallel_loop3A_207 = vector.shape_cast %parallel_loop3A_206 : vector<1x1x16xf32> to vector<16xf32>
      %parallel_loop3A_208 = arith.constant 31 : i32
      %parallel_loop3A_209 = vector.broadcast %parallel_loop3A_208 : i32 to vector<16xi32>
      %parallel_loop3A_210 = arith.shli %parallel_loop3A_198, %parallel_loop3A_209 : vector<16xi32>
      %parallel_loop3A_211 = arith.constant 0 : i32
      %parallel_loop3A_212 = vector.broadcast %parallel_loop3A_211 : i32 to vector<16xi32>
      %parallel_loop3A_213 = arith.cmpi slt, %parallel_loop3A_210, %parallel_loop3A_212 : vector<16xi32>
      %parallel_loop3A_214 = arith.select %parallel_loop3A_213, %parallel_loop3A_207, %broadcast_in_dim3A_3 : vector<16xi1>, vector<16xf32>
      %parallel_loop3A_215 = arith.constant 16 : i32
      %parallel_loop3A_216 = arith.muli %parallel_loop3A_191, %parallel_loop3A_215 : i32
      %parallel_loop3A_217 = arith.constant 1 : i32
      %parallel_loop3A_218 = arith.constant 0 : i32
      %parallel_loop3A_219 = arith.index_cast %parallel_loop3A_217 : i32 to index
      %parallel_loop3A_220 = arith.index_cast %parallel_loop3A_218 : i32 to index
      %parallel_loop3A_221 = arith.index_cast %parallel_loop3A_216 : i32 to index
      %parallel_loop3A_222 = tpu.vector_load %arg5[%parallel_loop3A_219, %parallel_loop3A_220, %parallel_loop3A_221] {strides = array<i32>} : memref<2x16x512xf32, #tpu.memory_space<vmem>>, vector<1x1x16xf32>,
      %parallel_loop3A_223 = vector.shape_cast %parallel_loop3A_222 : vector<1x1x16xf32> to vector<16xf32>
      %parallel_loop3A_224 = vector.shape_cast %parallel_loop3A_214 : vector<16xf32> to vector<1x1x16xf32>
      tpu.vector_store %arg5[%parallel_loop3A_219, %parallel_loop3A_220, %parallel_loop3A_221], %parallel_loop3A_224 {strides = array<i32>} : memref<2x16x512xf32, #tpu.memory_space<vmem>>, vector<1x1x16xf32>,
      %parallel_loop3A_225 = arith.constant 16 : i32
      %parallel_loop3A_226 = arith.muli %parallel_loop3A_191, %parallel_loop3A_225 : i32
      %parallel_loop3A_227 = arith.constant 1 : i32
      %parallel_loop3A_228 = arith.constant 1 : i32
      %parallel_loop3A_229 = arith.index_cast %parallel_loop3A_227 : i32 to index
      %parallel_loop3A_230 = arith.index_cast %parallel_loop3A_228 : i32 to index
      %parallel_loop3A_231 = arith.index_cast %parallel_loop3A_226 : i32 to index
      %parallel_loop3A_232 = tpu.vector_load %arg5[%parallel_loop3A_229, %parallel_loop3A_230, %parallel_loop3A_231] {strides = array<i32>} : memref<2x16x512xf32, #tpu.memory_space<vmem>>, vector<1x1x16xf32>,
      %parallel_loop3A_233 = vector.shape_cast %parallel_loop3A_232 : vector<1x1x16xf32> to vector<16xf32>
      %parallel_loop3A_234 = arith.constant 30 : i32
      %parallel_loop3A_235 = vector.broadcast %parallel_loop3A_234 : i32 to vector<16xi32>
      %parallel_loop3A_236 = arith.shli %parallel_loop3A_198, %parallel_loop3A_235 : vector<16xi32>
      %parallel_loop3A_237 = arith.constant 0 : i32
      %parallel_loop3A_238 = vector.broadcast %parallel_loop3A_237 : i32 to vector<16xi32>
      %parallel_loop3A_239 = arith.cmpi slt, %parallel_loop3A_236, %parallel_loop3A_238 : vector<16xi32>
      %parallel_loop3A_240 = arith.select %parallel_loop3A_239, %parallel_loop3A_233, %broadcast_in_dim3A_3 : vector<16xi1>, vector<16xf32>
      %parallel_loop3A_241 = arith.constant 16 : i32
      %parallel_loop3A_242 = arith.muli %parallel_loop3A_191, %parallel_loop3A_241 : i32
      %parallel_loop3A_243 = arith.constant 1 : i32
      %parallel_loop3A_244 = arith.constant 1 : i32
      %parallel_loop3A_245 = arith.index_cast %parallel_loop3A_243 : i32 to index
      %parallel_loop3A_246 = arith.index_cast %parallel_loop3A_244 : i32 to index
      %parallel_loop3A_247 = arith.index_cast %parallel_loop3A_242 : i32 to index
      %parallel_loop3A_248 = tpu.vector_load %arg5[%parallel_loop3A_245, %parallel_loop3A_246, %parallel_loop3A_247] {strides = array<i32>} : memref<2x16x512xf32, #tpu.memory_space<vmem>>, vector<1x1x16xf32>,
      %parallel_loop3A_249 = vector.shape_cast %parallel_loop3A_248 : vector<1x1x16xf32> to vector<16xf32>
      %parallel_loop3A_250 = vector.shape_cast %parallel_loop3A_240 : vector<16xf32> to vector<1x1x16xf32>
      tpu.vector_store %arg5[%parallel_loop3A_245, %parallel_loop3A_246, %parallel_loop3A_247], %parallel_loop3A_250 {strides = array<i32>} : memref<2x16x512xf32, #tpu.memory_space<vmem>>, vector<1x1x16xf32>,
      %parallel_loop3A_251 = arith.constant 16 : i32
      %parallel_loop3A_252 = arith.muli %parallel_loop3A_191, %parallel_loop3A_251 : i32
      %parallel_loop3A_253 = arith.constant 1 : i32
      %parallel_loop3A_254 = arith.constant 2 : i32
      %parallel_loop3A_255 = arith.index_cast %parallel_loop3A_253 : i32 to index
      %parallel_loop3A_256 = arith.index_cast %parallel_loop3A_254 : i32 to index
      %parallel_loop3A_257 = arith.index_cast %parallel_loop3A_252 : i32 to index
      %parallel_loop3A_258 = tpu.vector_load %arg5[%parallel_loop3A_255, %parallel_loop3A_256, %parallel_loop3A_257] {strides = array<i32>} : memref<2x16x512xf32, #tpu.memory_space<vmem>>, vector<1x1x16xf32>,
      %parallel_loop3A_259 = vector.shape_cast %parallel_loop3A_258 : vector<1x1x16xf32> to vector<16xf32>
      %parallel_loop3A_260 = arith.constant 29 : i32
      %parallel_loop3A_261 = vector.broadcast %parallel_loop3A_260 : i32 to vector<16xi32>
      %parallel_loop3A_262 = arith.shli %parallel_loop3A_198, %parallel_loop3A_261 : vector<16xi32>
      %parallel_loop3A_263 = arith.constant 0 : i32
      %parallel_loop3A_264 = vector.broadcast %parallel_loop3A_263 : i32 to vector<16xi32>
      %parallel_loop3A_265 = arith.cmpi slt, %parallel_loop3A_262, %parallel_loop3A_264 : vector<16xi32>
      %parallel_loop3A_266 = arith.select %parallel_loop3A_265, %parallel_loop3A_259, %broadcast_in_dim3A_3 : vector<16xi1>, vector<16xf32>
      %parallel_loop3A_267 = arith.constant 16 : i32
      %parallel_loop3A_268 = arith.muli %parallel_loop3A_191, %parallel_loop3A_267 : i32
      %parallel_loop3A_269 = arith.constant 1 : i32
      %parallel_loop3A_270 = arith.constant 2 : i32
      %parallel_loop3A_271 = arith.index_cast %parallel_loop3A_269 : i32 to index
      %parallel_loop3A_272 = arith.index_cast %parallel_loop3A_270 : i32 to index
      %parallel_loop3A_273 = arith.index_cast %parallel_loop3A_268 : i32 to index
      %parallel_loop3A_274 = tpu.vector_load %arg5[%parallel_loop3A_271, %parallel_loop3A_272, %parallel_loop3A_273] {strides = array<i32>} : memref<2x16x512xf32, #tpu.memory_space<vmem>>, vector<1x1x16xf32>,
      %parallel_loop3A_275 = vector.shape_cast %parallel_loop3A_274 : vector<1x1x16xf32> to vector<16xf32>
      %parallel_loop3A_276 = vector.shape_cast %parallel_loop3A_266 : vector<16xf32> to vector<1x1x16xf32>
      tpu.vector_store %arg5[%parallel_loop3A_271, %parallel_loop3A_272, %parallel_loop3A_273], %parallel_loop3A_276 {strides = array<i32>} : memref<2x16x512xf32, #tpu.memory_space<vmem>>, vector<1x1x16xf32>,
      %parallel_loop3A_277 = arith.constant 16 : i32
      %parallel_loop3A_278 = arith.muli %parallel_loop3A_191, %parallel_loop3A_277 : i32
      %parallel_loop3A_279 = arith.constant 1 : i32
      %parallel_loop3A_280 = arith.constant 3 : i32
      %parallel_loop3A_281 = arith.index_cast %parallel_loop3A_279 : i32 to index
      %parallel_loop3A_282 = arith.index_cast %parallel_loop3A_280 : i32 to index
      %parallel_loop3A_283 = arith.index_cast %parallel_loop3A_278 : i32 to index
      %parallel_loop3A_284 = tpu.vector_load %arg5[%parallel_loop3A_281, %parallel_loop3A_282, %parallel_loop3A_283] {strides = array<i32>} : memref<2x16x512xf32, #tpu.memory_space<vmem>>, vector<1x1x16xf32>,
      %parallel_loop3A_285 = vector.shape_cast %parallel_loop3A_284 : vector<1x1x16xf32> to vector<16xf32>
      %parallel_loop3A_286 = arith.constant 28 : i32
      %parallel_loop3A_287 = vector.broadcast %parallel_loop3A_286 : i32 to vector<16xi32>
      %parallel_loop3A_288 = arith.shli %parallel_loop3A_198, %parallel_loop3A_287 : vector<16xi32>
      %parallel_loop3A_289 = arith.constant 0 : i32
      %parallel_loop3A_290 = vector.broadcast %parallel_loop3A_289 : i32 to vector<16xi32>
      %parallel_loop3A_291 = arith.cmpi slt, %parallel_loop3A_288, %parallel_loop3A_290 : vector<16xi32>
      %parallel_loop3A_292 = arith.select %parallel_loop3A_291, %parallel_loop3A_285, %broadcast_in_dim3A_3 : vector<16xi1>, vector<16xf32>
      %parallel_loop3A_293 = arith.constant 16 : i32
      %parallel_loop3A_294 = arith.muli %parallel_loop3A_191, %parallel_loop3A_293 : i32
      %parallel_loop3A_295 = arith.constant 1 : i32
      %parallel_loop3A_296 = arith.constant 3 : i32
      %parallel_loop3A_297 = arith.index_cast %parallel_loop3A_295 : i32 to index
      %parallel_loop3A_298 = arith.index_cast %parallel_loop3A_296 : i32 to index
      %parallel_loop3A_299 = arith.index_cast %parallel_loop3A_294 : i32 to index
      %parallel_loop3A_300 = tpu.vector_load %arg5[%parallel_loop3A_297, %parallel_loop3A_298, %parallel_loop3A_299] {strides = array<i32>} : memref<2x16x512xf32, #tpu.memory_space<vmem>>, vector<1x1x16xf32>,
      %parallel_loop3A_301 = vector.shape_cast %parallel_loop3A_300 : vector<1x1x16xf32> to vector<16xf32>
      %parallel_loop3A_302 = vector.shape_cast %parallel_loop3A_292 : vector<16xf32> to vector<1x1x16xf32>
      tpu.vector_store %arg5[%parallel_loop3A_297, %parallel_loop3A_298, %parallel_loop3A_299], %parallel_loop3A_302 {strides = array<i32>} : memref<2x16x512xf32, #tpu.memory_space<vmem>>, vector<1x1x16xf32>,
      %parallel_loop3A_303 = arith.constant 16 : i32
      %parallel_loop3A_304 = arith.muli %parallel_loop3A_191, %parallel_loop3A_303 : i32
      %parallel_loop3A_305 = arith.constant 1 : i32
      %parallel_loop3A_306 = arith.constant 4 : i32
      %parallel_loop3A_307 = arith.index_cast %parallel_loop3A_305 : i32 to index
      %parallel_loop3A_308 = arith.index_cast %parallel_loop3A_306 : i32 to index
      %parallel_loop3A_309 = arith.index_cast %parallel_loop3A_304 : i32 to index
      %parallel_loop3A_310 = tpu.vector_load %arg5[%parallel_loop3A_307, %parallel_loop3A_308, %parallel_loop3A_309] {strides = array<i32>} : memref<2x16x512xf32, #tpu.memory_space<vmem>>, vector<1x1x16xf32>,
      %parallel_loop3A_311 = vector.shape_cast %parallel_loop3A_310 : vector<1x1x16xf32> to vector<16xf32>
      %parallel_loop3A_312 = arith.constant 27 : i32
      %parallel_loop3A_313 = vector.broadcast %parallel_loop3A_312 : i32 to vector<16xi32>
      %parallel_loop3A_314 = arith.shli %parallel_loop3A_198, %parallel_loop3A_313 : vector<16xi32>
      %parallel_loop3A_315 = arith.constant 0 : i32
      %parallel_loop3A_316 = vector.broadcast %parallel_loop3A_315 : i32 to vector<16xi32>
      %parallel_loop3A_317 = arith.cmpi slt, %parallel_loop3A_314, %parallel_loop3A_316 : vector<16xi32>
      %parallel_loop3A_318 = arith.select %parallel_loop3A_317, %parallel_loop3A_311, %broadcast_in_dim3A_3 : vector<16xi1>, vector<16xf32>
      %parallel_loop3A_319 = arith.constant 16 : i32
      %parallel_loop3A_320 = arith.muli %parallel_loop3A_191, %parallel_loop3A_319 : i32
      %parallel_loop3A_321 = arith.constant 1 : i32
      %parallel_loop3A_322 = arith.constant 4 : i32
      %parallel_loop3A_323 = arith.index_cast %parallel_loop3A_321 : i32 to index
      %parallel_loop3A_324 = arith.index_cast %parallel_loop3A_322 : i32 to index
      %parallel_loop3A_325 = arith.index_cast %parallel_loop3A_320 : i32 to index
      %parallel_loop3A_326 = tpu.vector_load %arg5[%parallel_loop3A_323, %parallel_loop3A_324, %parallel_loop3A_325] {strides = array<i32>} : memref<2x16x512xf32, #tpu.memory_space<vmem>>, vector<1x1x16xf32>,
      %parallel_loop3A_327 = vector.shape_cast %parallel_loop3A_326 : vector<1x1x16xf32> to vector<16xf32>
      %parallel_loop3A_328 = vector.shape_cast %parallel_loop3A_318 : vector<16xf32> to vector<1x1x16xf32>
      tpu.vector_store %arg5[%parallel_loop3A_323, %parallel_loop3A_324, %parallel_loop3A_325], %parallel_loop3A_328 {strides = array<i32>} : memref<2x16x512xf32, #tpu.memory_space<vmem>>, vector<1x1x16xf32>,
      %parallel_loop3A_329 = arith.constant 16 : i32
      %parallel_loop3A_330 = arith.muli %parallel_loop3A_191, %parallel_loop3A_329 : i32
      %parallel_loop3A_331 = arith.constant 1 : i32
      %parallel_loop3A_332 = arith.constant 5 : i32
      %parallel_loop3A_333 = arith.index_cast %parallel_loop3A_331 : i32 to index
      %parallel_loop3A_334 = arith.index_cast %parallel_loop3A_332 : i32 to index
      %parallel_loop3A_335 = arith.index_cast %parallel_loop3A_330 : i32 to index
      %parallel_loop3A_336 = tpu.vector_load %arg5[%parallel_loop3A_333, %parallel_loop3A_334, %parallel_loop3A_335] {strides = array<i32>} : memref<2x16x512xf32, #tpu.memory_space<vmem>>, vector<1x1x16xf32>,
      %parallel_loop3A_337 = vector.shape_cast %parallel_loop3A_336 : vector<1x1x16xf32> to vector<16xf32>
      %parallel_loop3A_338 = arith.constant 26 : i32
      %parallel_loop3A_339 = vector.broadcast %parallel_loop3A_338 : i32 to vector<16xi32>
      %parallel_loop3A_340 = arith.shli %parallel_loop3A_198, %parallel_loop3A_339 : vector<16xi32>
      %parallel_loop3A_341 = arith.constant 0 : i32
      %parallel_loop3A_342 = vector.broadcast %parallel_loop3A_341 : i32 to vector<16xi32>
      %parallel_loop3A_343 = arith.cmpi slt, %parallel_loop3A_340, %parallel_loop3A_342 : vector<16xi32>
      %parallel_loop3A_344 = arith.select %parallel_loop3A_343, %parallel_loop3A_337, %broadcast_in_dim3A_3 : vector<16xi1>, vector<16xf32>
      %parallel_loop3A_345 = arith.constant 16 : i32
      %parallel_loop3A_346 = arith.muli %parallel_loop3A_191, %parallel_loop3A_345 : i32
      %parallel_loop3A_347 = arith.constant 1 : i32
      %parallel_loop3A_348 = arith.constant 5 : i32
      %parallel_loop3A_349 = arith.index_cast %parallel_loop3A_347 : i32 to index
      %parallel_loop3A_350 = arith.index_cast %parallel_loop3A_348 : i32 to index
      %parallel_loop3A_351 = arith.index_cast %parallel_loop3A_346 : i32 to index
      %parallel_loop3A_352 = tpu.vector_load %arg5[%parallel_loop3A_349, %parallel_loop3A_350, %parallel_loop3A_351] {strides = array<i32>} : memref<2x16x512xf32, #tpu.memory_space<vmem>>, vector<1x1x16xf32>,
      %parallel_loop3A_353 = vector.shape_cast %parallel_loop3A_352 : vector<1x1x16xf32> to vector<16xf32>
      %parallel_loop3A_354 = vector.shape_cast %parallel_loop3A_344 : vector<16xf32> to vector<1x1x16xf32>
      tpu.vector_store %arg5[%parallel_loop3A_349, %parallel_loop3A_350, %parallel_loop3A_351], %parallel_loop3A_354 {strides = array<i32>} : memref<2x16x512xf32, #tpu.memory_space<vmem>>, vector<1x1x16xf32>,
      %parallel_loop3A_355 = arith.constant 16 : i32
      %parallel_loop3A_356 = arith.muli %parallel_loop3A_191, %parallel_loop3A_355 : i32
      %parallel_loop3A_357 = arith.constant 1 : i32
      %parallel_loop3A_358 = arith.constant 6 : i32
      %parallel_loop3A_359 = arith.index_cast %parallel_loop3A_357 : i32 to index
      %parallel_loop3A_360 = arith.index_cast %parallel_loop3A_358 : i32 to index
      %parallel_loop3A_361 = arith.index_cast %parallel_loop3A_356 : i32 to index
      %parallel_loop3A_362 = tpu.vector_load %arg5[%parallel_loop3A_359, %parallel_loop3A_360, %parallel_loop3A_361] {strides = array<i32>} : memref<2x16x512xf32, #tpu.memory_space<vmem>>, vector<1x1x16xf32>,
      %parallel_loop3A_363 = vector.shape_cast %parallel_loop3A_362 : vector<1x1x16xf32> to vector<16xf32>
      %parallel_loop3A_364 = arith.constant 25 : i32
      %parallel_loop3A_365 = vector.broadcast %parallel_loop3A_364 : i32 to vector<16xi32>
      %parallel_loop3A_366 = arith.shli %parallel_loop3A_198, %parallel_loop3A_365 : vector<16xi32>
      %parallel_loop3A_367 = arith.constant 0 : i32
      %parallel_loop3A_368 = vector.broadcast %parallel_loop3A_367 : i32 to vector<16xi32>
      %parallel_loop3A_369 = arith.cmpi slt, %parallel_loop3A_366, %parallel_loop3A_368 : vector<16xi32>
      %parallel_loop3A_370 = arith.select %parallel_loop3A_369, %parallel_loop3A_363, %broadcast_in_dim3A_3 : vector<16xi1>, vector<16xf32>
      %parallel_loop3A_371 = arith.constant 16 : i32
      %parallel_loop3A_372 = arith.muli %parallel_loop3A_191, %parallel_loop3A_371 : i32
      %parallel_loop3A_373 = arith.constant 1 : i32
      %parallel_loop3A_374 = arith.constant 6 : i32
      %parallel_loop3A_375 = arith.index_cast %parallel_loop3A_373 : i32 to index
      %parallel_loop3A_376 = arith.index_cast %parallel_loop3A_374 : i32 to index
      %parallel_loop3A_377 = arith.index_cast %parallel_loop3A_372 : i32 to index
      %parallel_loop3A_378 = tpu.vector_load %arg5[%parallel_loop3A_375, %parallel_loop3A_376, %parallel_loop3A_377] {strides = array<i32>} : memref<2x16x512xf32, #tpu.memory_space<vmem>>, vector<1x1x16xf32>,
      %parallel_loop3A_379 = vector.shape_cast %parallel_loop3A_378 : vector<1x1x16xf32> to vector<16xf32>
      %parallel_loop3A_380 = vector.shape_cast %parallel_loop3A_370 : vector<16xf32> to vector<1x1x16xf32>
      tpu.vector_store %arg5[%parallel_loop3A_375, %parallel_loop3A_376, %parallel_loop3A_377], %parallel_loop3A_380 {strides = array<i32>} : memref<2x16x512xf32, #tpu.memory_space<vmem>>, vector<1x1x16xf32>,
      %parallel_loop3A_381 = arith.constant 16 : i32
      %parallel_loop3A_382 = arith.muli %parallel_loop3A_191, %parallel_loop3A_381 : i32
      %parallel_loop3A_383 = arith.constant 1 : i32
      %parallel_loop3A_384 = arith.constant 7 : i32
      %parallel_loop3A_385 = arith.index_cast %parallel_loop3A_383 : i32 to index
      %parallel_loop3A_386 = arith.index_cast %parallel_loop3A_384 : i32 to index
      %parallel_loop3A_387 = arith.index_cast %parallel_loop3A_382 : i32 to index
      %parallel_loop3A_388 = tpu.vector_load %arg5[%parallel_loop3A_385, %parallel_loop3A_386, %parallel_loop3A_387] {strides = array<i32>} : memref<2x16x512xf32, #tpu.memory_space<vmem>>, vector<1x1x16xf32>,
      %parallel_loop3A_389 = vector.shape_cast %parallel_loop3A_388 : vector<1x1x16xf32> to vector<16xf32>
      %parallel_loop3A_390 = arith.constant 24 : i32
      %parallel_loop3A_391 = vector.broadcast %parallel_loop3A_390 : i32 to vector<16xi32>
      %parallel_loop3A_392 = arith.shli %parallel_loop3A_198, %parallel_loop3A_391 : vector<16xi32>
      %parallel_loop3A_393 = arith.constant 0 : i32
      %parallel_loop3A_394 = vector.broadcast %parallel_loop3A_393 : i32 to vector<16xi32>
      %parallel_loop3A_395 = arith.cmpi slt, %parallel_loop3A_392, %parallel_loop3A_394 : vector<16xi32>
      %parallel_loop3A_396 = arith.select %parallel_loop3A_395, %parallel_loop3A_389, %broadcast_in_dim3A_3 : vector<16xi1>, vector<16xf32>
      %parallel_loop3A_397 = arith.constant 16 : i32
      %parallel_loop3A_398 = arith.muli %parallel_loop3A_191, %parallel_loop3A_397 : i32
      %parallel_loop3A_399 = arith.constant 1 : i32
      %parallel_loop3A_400 = arith.constant 7 : i32
      %parallel_loop3A_401 = arith.index_cast %parallel_loop3A_399 : i32 to index
      %parallel_loop3A_402 = arith.index_cast %parallel_loop3A_400 : i32 to index
      %parallel_loop3A_403 = arith.index_cast %parallel_loop3A_398 : i32 to index
      %parallel_loop3A_404 = tpu.vector_load %arg5[%parallel_loop3A_401, %parallel_loop3A_402, %parallel_loop3A_403] {strides = array<i32>} : memref<2x16x512xf32, #tpu.memory_space<vmem>>, vector<1x1x16xf32>,
      %parallel_loop3A_405 = vector.shape_cast %parallel_loop3A_404 : vector<1x1x16xf32> to vector<16xf32>
      %parallel_loop3A_406 = vector.shape_cast %parallel_loop3A_396 : vector<16xf32> to vector<1x1x16xf32>
      tpu.vector_store %arg5[%parallel_loop3A_401, %parallel_loop3A_402, %parallel_loop3A_403], %parallel_loop3A_406 {strides = array<i32>} : memref<2x16x512xf32, #tpu.memory_space<vmem>>, vector<1x1x16xf32>,
      %parallel_loop3A_407 = arith.constant 16 : i32
      %parallel_loop3A_408 = arith.muli %parallel_loop3A_191, %parallel_loop3A_407 : i32
      %parallel_loop3A_409 = arith.constant 1 : i32
      %parallel_loop3A_410 = arith.constant 8 : i32
      %parallel_loop3A_411 = arith.index_cast %parallel_loop3A_409 : i32 to index
      %parallel_loop3A_412 = arith.index_cast %parallel_loop3A_410 : i32 to index
      %parallel_loop3A_413 = arith.index_cast %parallel_loop3A_408 : i32 to index
      %parallel_loop3A_414 = tpu.vector_load %arg5[%parallel_loop3A_411, %parallel_loop3A_412, %parallel_loop3A_413] {strides = array<i32>} : memref<2x16x512xf32, #tpu.memory_space<vmem>>, vector<1x1x16xf32>,
      %parallel_loop3A_415 = vector.shape_cast %parallel_loop3A_414 : vector<1x1x16xf32> to vector<16xf32>
      %parallel_loop3A_416 = arith.constant 23 : i32
      %parallel_loop3A_417 = vector.broadcast %parallel_loop3A_416 : i32 to vector<16xi32>
      %parallel_loop3A_418 = arith.shli %parallel_loop3A_198, %parallel_loop3A_417 : vector<16xi32>
      %parallel_loop3A_419 = arith.constant 0 : i32
      %parallel_loop3A_420 = vector.broadcast %parallel_loop3A_419 : i32 to vector<16xi32>
      %parallel_loop3A_421 = arith.cmpi slt, %parallel_loop3A_418, %parallel_loop3A_420 : vector<16xi32>
      %parallel_loop3A_422 = arith.select %parallel_loop3A_421, %parallel_loop3A_415, %broadcast_in_dim3A_3 : vector<16xi1>, vector<16xf32>
      %parallel_loop3A_423 = arith.constant 16 : i32
      %parallel_loop3A_424 = arith.muli %parallel_loop3A_191, %parallel_loop3A_423 : i32
      %parallel_loop3A_425 = arith.constant 1 : i32
      %parallel_loop3A_426 = arith.constant 8 : i32
      %parallel_loop3A_427 = arith.index_cast %parallel_loop3A_425 : i32 to index
      %parallel_loop3A_428 = arith.index_cast %parallel_loop3A_426 : i32 to index
      %parallel_loop3A_429 = arith.index_cast %parallel_loop3A_424 : i32 to index
      %parallel_loop3A_430 = tpu.vector_load %arg5[%parallel_loop3A_427, %parallel_loop3A_428, %parallel_loop3A_429] {strides = array<i32>} : memref<2x16x512xf32, #tpu.memory_space<vmem>>, vector<1x1x16xf32>,
      %parallel_loop3A_431 = vector.shape_cast %parallel_loop3A_430 : vector<1x1x16xf32> to vector<16xf32>
      %parallel_loop3A_432 = vector.shape_cast %parallel_loop3A_422 : vector<16xf32> to vector<1x1x16xf32>
      tpu.vector_store %arg5[%parallel_loop3A_427, %parallel_loop3A_428, %parallel_loop3A_429], %parallel_loop3A_432 {strides = array<i32>} : memref<2x16x512xf32, #tpu.memory_space<vmem>>, vector<1x1x16xf32>,
      %parallel_loop3A_433 = arith.constant 16 : i32
      %parallel_loop3A_434 = arith.muli %parallel_loop3A_191, %parallel_loop3A_433 : i32
      %parallel_loop3A_435 = arith.constant 1 : i32
      %parallel_loop3A_436 = arith.constant 9 : i32
      %parallel_loop3A_437 = arith.index_cast %parallel_loop3A_435 : i32 to index
      %parallel_loop3A_438 = arith.index_cast %parallel_loop3A_436 : i32 to index
      %parallel_loop3A_439 = arith.index_cast %parallel_loop3A_434 : i32 to index
      %parallel_loop3A_440 = tpu.vector_load %arg5[%parallel_loop3A_437, %parallel_loop3A_438, %parallel_loop3A_439] {strides = array<i32>} : memref<2x16x512xf32, #tpu.memory_space<vmem>>, vector<1x1x16xf32>,
      %parallel_loop3A_441 = vector.shape_cast %parallel_loop3A_440 : vector<1x1x16xf32> to vector<16xf32>
      %parallel_loop3A_442 = arith.constant 22 : i32
      %parallel_loop3A_443 = vector.broadcast %parallel_loop3A_442 : i32 to vector<16xi32>
      %parallel_loop3A_444 = arith.shli %parallel_loop3A_198, %parallel_loop3A_443 : vector<16xi32>
      %parallel_loop3A_445 = arith.constant 0 : i32
      %parallel_loop3A_446 = vector.broadcast %parallel_loop3A_445 : i32 to vector<16xi32>
      %parallel_loop3A_447 = arith.cmpi slt, %parallel_loop3A_444, %parallel_loop3A_446 : vector<16xi32>
      %parallel_loop3A_448 = arith.select %parallel_loop3A_447, %parallel_loop3A_441, %broadcast_in_dim3A_3 : vector<16xi1>, vector<16xf32>
      %parallel_loop3A_449 = arith.constant 16 : i32
      %parallel_loop3A_450 = arith.muli %parallel_loop3A_191, %parallel_loop3A_449 : i32
      %parallel_loop3A_451 = arith.constant 1 : i32
      %parallel_loop3A_452 = arith.constant 9 : i32
      %parallel_loop3A_453 = arith.index_cast %parallel_loop3A_451 : i32 to index
      %parallel_loop3A_454 = arith.index_cast %parallel_loop3A_452 : i32 to index
      %parallel_loop3A_455 = arith.index_cast %parallel_loop3A_450 : i32 to index
      %parallel_loop3A_456 = tpu.vector_load %arg5[%parallel_loop3A_453, %parallel_loop3A_454, %parallel_loop3A_455] {strides = array<i32>} : memref<2x16x512xf32, #tpu.memory_space<vmem>>, vector<1x1x16xf32>,
      %parallel_loop3A_457 = vector.shape_cast %parallel_loop3A_456 : vector<1x1x16xf32> to vector<16xf32>
      %parallel_loop3A_458 = vector.shape_cast %parallel_loop3A_448 : vector<16xf32> to vector<1x1x16xf32>
      tpu.vector_store %arg5[%parallel_loop3A_453, %parallel_loop3A_454, %parallel_loop3A_455], %parallel_loop3A_458 {strides = array<i32>} : memref<2x16x512xf32, #tpu.memory_space<vmem>>, vector<1x1x16xf32>,
      %parallel_loop3A_459 = arith.constant 16 : i32
      %parallel_loop3A_460 = arith.muli %parallel_loop3A_191, %parallel_loop3A_459 : i32
      %parallel_loop3A_461 = arith.constant 1 : i32
      %parallel_loop3A_462 = arith.constant 10 : i32
      %parallel_loop3A_463 = arith.index_cast %parallel_loop3A_461 : i32 to index
      %parallel_loop3A_464 = arith.index_cast %parallel_loop3A_462 : i32 to index
      %parallel_loop3A_465 = arith.index_cast %parallel_loop3A_460 : i32 to index
      %parallel_loop3A_466 = tpu.vector_load %arg5[%parallel_loop3A_463, %parallel_loop3A_464, %parallel_loop3A_465] {strides = array<i32>} : memref<2x16x512xf32, #tpu.memory_space<vmem>>, vector<1x1x16xf32>,
      %parallel_loop3A_467 = vector.shape_cast %parallel_loop3A_466 : vector<1x1x16xf32> to vector<16xf32>
      %parallel_loop3A_468 = arith.constant 21 : i32
      %parallel_loop3A_469 = vector.broadcast %parallel_loop3A_468 : i32 to vector<16xi32>
      %parallel_loop3A_470 = arith.shli %parallel_loop3A_198, %parallel_loop3A_469 : vector<16xi32>
      %parallel_loop3A_471 = arith.constant 0 : i32
      %parallel_loop3A_472 = vector.broadcast %parallel_loop3A_471 : i32 to vector<16xi32>
      %parallel_loop3A_473 = arith.cmpi slt, %parallel_loop3A_470, %parallel_loop3A_472 : vector<16xi32>
      %parallel_loop3A_474 = arith.select %parallel_loop3A_473, %parallel_loop3A_467, %broadcast_in_dim3A_3 : vector<16xi1>, vector<16xf32>
      %parallel_loop3A_475 = arith.constant 16 : i32
      %parallel_loop3A_476 = arith.muli %parallel_loop3A_191, %parallel_loop3A_475 : i32
      %parallel_loop3A_477 = arith.constant 1 : i32
      %parallel_loop3A_478 = arith.constant 10 : i32
      %parallel_loop3A_479 = arith.index_cast %parallel_loop3A_477 : i32 to index
      %parallel_loop3A_480 = arith.index_cast %parallel_loop3A_478 : i32 to index
      %parallel_loop3A_481 = arith.index_cast %parallel_loop3A_476 : i32 to index
      %parallel_loop3A_482 = tpu.vector_load %arg5[%parallel_loop3A_479, %parallel_loop3A_480, %parallel_loop3A_481] {strides = array<i32>} : memref<2x16x512xf32, #tpu.memory_space<vmem>>, vector<1x1x16xf32>,
      %parallel_loop3A_483 = vector.shape_cast %parallel_loop3A_482 : vector<1x1x16xf32> to vector<16xf32>
      %parallel_loop3A_484 = vector.shape_cast %parallel_loop3A_474 : vector<16xf32> to vector<1x1x16xf32>
      tpu.vector_store %arg5[%parallel_loop3A_479, %parallel_loop3A_480, %parallel_loop3A_481], %parallel_loop3A_484 {strides = array<i32>} : memref<2x16x512xf32, #tpu.memory_space<vmem>>, vector<1x1x16xf32>,
      %parallel_loop3A_485 = arith.constant 16 : i32
      %parallel_loop3A_486 = arith.muli %parallel_loop3A_191, %parallel_loop3A_485 : i32
      %parallel_loop3A_487 = arith.constant 1 : i32
      %parallel_loop3A_488 = arith.constant 11 : i32
      %parallel_loop3A_489 = arith.index_cast %parallel_loop3A_487 : i32 to index
      %parallel_loop3A_490 = arith.index_cast %parallel_loop3A_488 : i32 to index
      %parallel_loop3A_491 = arith.index_cast %parallel_loop3A_486 : i32 to index
      %parallel_loop3A_492 = tpu.vector_load %arg5[%parallel_loop3A_489, %parallel_loop3A_490, %parallel_loop3A_491] {strides = array<i32>} : memref<2x16x512xf32, #tpu.memory_space<vmem>>, vector<1x1x16xf32>,
      %parallel_loop3A_493 = vector.shape_cast %parallel_loop3A_492 : vector<1x1x16xf32> to vector<16xf32>
      %parallel_loop3A_494 = arith.constant 20 : i32
      %parallel_loop3A_495 = vector.broadcast %parallel_loop3A_494 : i32 to vector<16xi32>
      %parallel_loop3A_496 = arith.shli %parallel_loop3A_198, %parallel_loop3A_495 : vector<16xi32>
      %parallel_loop3A_497 = arith.constant 0 : i32
      %parallel_loop3A_498 = vector.broadcast %parallel_loop3A_497 : i32 to vector<16xi32>
      %parallel_loop3A_499 = arith.cmpi slt, %parallel_loop3A_496, %parallel_loop3A_498 : vector<16xi32>
      %parallel_loop3A_500 = arith.select %parallel_loop3A_499, %parallel_loop3A_493, %broadcast_in_dim3A_3 : vector<16xi1>, vector<16xf32>
      %parallel_loop3A_501 = arith.constant 16 : i32
      %parallel_loop3A_502 = arith.muli %parallel_loop3A_191, %parallel_loop3A_501 : i32
      %parallel_loop3A_503 = arith.constant 1 : i32
      %parallel_loop3A_504 = arith.constant 11 : i32
      %parallel_loop3A_505 = arith.index_cast %parallel_loop3A_503 : i32 to index
      %parallel_loop3A_506 = arith.index_cast %parallel_loop3A_504 : i32 to index
      %parallel_loop3A_507 = arith.index_cast %parallel_loop3A_502 : i32 to index
      %parallel_loop3A_508 = tpu.vector_load %arg5[%parallel_loop3A_505, %parallel_loop3A_506, %parallel_loop3A_507] {strides = array<i32>} : memref<2x16x512xf32, #tpu.memory_space<vmem>>, vector<1x1x16xf32>,
      %parallel_loop3A_509 = vector.shape_cast %parallel_loop3A_508 : vector<1x1x16xf32> to vector<16xf32>
      %parallel_loop3A_510 = vector.shape_cast %parallel_loop3A_500 : vector<16xf32> to vector<1x1x16xf32>
      tpu.vector_store %arg5[%parallel_loop3A_505, %parallel_loop3A_506, %parallel_loop3A_507], %parallel_loop3A_510 {strides = array<i32>} : memref<2x16x512xf32, #tpu.memory_space<vmem>>, vector<1x1x16xf32>,
      %parallel_loop3A_511 = arith.constant 16 : i32
      %parallel_loop3A_512 = arith.muli %parallel_loop3A_191, %parallel_loop3A_511 : i32
      %parallel_loop3A_513 = arith.constant 1 : i32
      %parallel_loop3A_514 = arith.constant 12 : i32
      %parallel_loop3A_515 = arith.index_cast %parallel_loop3A_513 : i32 to index
      %parallel_loop3A_516 = arith.index_cast %parallel_loop3A_514 : i32 to index
      %parallel_loop3A_517 = arith.index_cast %parallel_loop3A_512 : i32 to index
      %parallel_loop3A_518 = tpu.vector_load %arg5[%parallel_loop3A_515, %parallel_loop3A_516, %parallel_loop3A_517] {strides = array<i32>} : memref<2x16x512xf32, #tpu.memory_space<vmem>>, vector<1x1x16xf32>,
      %parallel_loop3A_519 = vector.shape_cast %parallel_loop3A_518 : vector<1x1x16xf32> to vector<16xf32>
      %parallel_loop3A_520 = arith.constant 19 : i32
      %parallel_loop3A_521 = vector.broadcast %parallel_loop3A_520 : i32 to vector<16xi32>
      %parallel_loop3A_522 = arith.shli %parallel_loop3A_198, %parallel_loop3A_521 : vector<16xi32>
      %parallel_loop3A_523 = arith.constant 0 : i32
      %parallel_loop3A_524 = vector.broadcast %parallel_loop3A_523 : i32 to vector<16xi32>
      %parallel_loop3A_525 = arith.cmpi slt, %parallel_loop3A_522, %parallel_loop3A_524 : vector<16xi32>
      %parallel_loop3A_526 = arith.select %parallel_loop3A_525, %parallel_loop3A_519, %broadcast_in_dim3A_3 : vector<16xi1>, vector<16xf32>
      %parallel_loop3A_527 = arith.constant 16 : i32
      %parallel_loop3A_528 = arith.muli %parallel_loop3A_191, %parallel_loop3A_527 : i32
      %parallel_loop3A_529 = arith.constant 1 : i32
      %parallel_loop3A_530 = arith.constant 12 : i32
      %parallel_loop3A_531 = arith.index_cast %parallel_loop3A_529 : i32 to index
      %parallel_loop3A_532 = arith.index_cast %parallel_loop3A_530 : i32 to index
      %parallel_loop3A_533 = arith.index_cast %parallel_loop3A_528 : i32 to index
      %parallel_loop3A_534 = tpu.vector_load %arg5[%parallel_loop3A_531, %parallel_loop3A_532, %parallel_loop3A_533] {strides = array<i32>} : memref<2x16x512xf32, #tpu.memory_space<vmem>>, vector<1x1x16xf32>,
      %parallel_loop3A_535 = vector.shape_cast %parallel_loop3A_534 : vector<1x1x16xf32> to vector<16xf32>
      %parallel_loop3A_536 = vector.shape_cast %parallel_loop3A_526 : vector<16xf32> to vector<1x1x16xf32>
      tpu.vector_store %arg5[%parallel_loop3A_531, %parallel_loop3A_532, %parallel_loop3A_533], %parallel_loop3A_536 {strides = array<i32>} : memref<2x16x512xf32, #tpu.memory_space<vmem>>, vector<1x1x16xf32>,
      %parallel_loop3A_537 = arith.constant 16 : i32
      %parallel_loop3A_538 = arith.muli %parallel_loop3A_191, %parallel_loop3A_537 : i32
      %parallel_loop3A_539 = arith.constant 1 : i32
      %parallel_loop3A_540 = arith.constant 13 : i32
      %parallel_loop3A_541 = arith.index_cast %parallel_loop3A_539 : i32 to index
      %parallel_loop3A_542 = arith.index_cast %parallel_loop3A_540 : i32 to index
      %parallel_loop3A_543 = arith.index_cast %parallel_loop3A_538 : i32 to index
      %parallel_loop3A_544 = tpu.vector_load %arg5[%parallel_loop3A_541, %parallel_loop3A_542, %parallel_loop3A_543] {strides = array<i32>} : memref<2x16x512xf32, #tpu.memory_space<vmem>>, vector<1x1x16xf32>,
      %parallel_loop3A_545 = vector.shape_cast %parallel_loop3A_544 : vector<1x1x16xf32> to vector<16xf32>
      %parallel_loop3A_546 = arith.constant 18 : i32
      %parallel_loop3A_547 = vector.broadcast %parallel_loop3A_546 : i32 to vector<16xi32>
      %parallel_loop3A_548 = arith.shli %parallel_loop3A_198, %parallel_loop3A_547 : vector<16xi32>
      %parallel_loop3A_549 = arith.constant 0 : i32
      %parallel_loop3A_550 = vector.broadcast %parallel_loop3A_549 : i32 to vector<16xi32>
      %parallel_loop3A_551 = arith.cmpi slt, %parallel_loop3A_548, %parallel_loop3A_550 : vector<16xi32>
      %parallel_loop3A_552 = arith.select %parallel_loop3A_551, %parallel_loop3A_545, %broadcast_in_dim3A_3 : vector<16xi1>, vector<16xf32>
      %parallel_loop3A_553 = arith.constant 16 : i32
      %parallel_loop3A_554 = arith.muli %parallel_loop3A_191, %parallel_loop3A_553 : i32
      %parallel_loop3A_555 = arith.constant 1 : i32
      %parallel_loop3A_556 = arith.constant 13 : i32
      %parallel_loop3A_557 = arith.index_cast %parallel_loop3A_555 : i32 to index
      %parallel_loop3A_558 = arith.index_cast %parallel_loop3A_556 : i32 to index
      %parallel_loop3A_559 = arith.index_cast %parallel_loop3A_554 : i32 to index
      %parallel_loop3A_560 = tpu.vector_load %arg5[%parallel_loop3A_557, %parallel_loop3A_558, %parallel_loop3A_559] {strides = array<i32>} : memref<2x16x512xf32, #tpu.memory_space<vmem>>, vector<1x1x16xf32>,
      %parallel_loop3A_561 = vector.shape_cast %parallel_loop3A_560 : vector<1x1x16xf32> to vector<16xf32>
      %parallel_loop3A_562 = vector.shape_cast %parallel_loop3A_552 : vector<16xf32> to vector<1x1x16xf32>
      tpu.vector_store %arg5[%parallel_loop3A_557, %parallel_loop3A_558, %parallel_loop3A_559], %parallel_loop3A_562 {strides = array<i32>} : memref<2x16x512xf32, #tpu.memory_space<vmem>>, vector<1x1x16xf32>,
      %parallel_loop3A_563 = arith.constant 16 : i32
      %parallel_loop3A_564 = arith.muli %parallel_loop3A_191, %parallel_loop3A_563 : i32
      %parallel_loop3A_565 = arith.constant 1 : i32
      %parallel_loop3A_566 = arith.constant 14 : i32
      %parallel_loop3A_567 = arith.index_cast %parallel_loop3A_565 : i32 to index
      %parallel_loop3A_568 = arith.index_cast %parallel_loop3A_566 : i32 to index
      %parallel_loop3A_569 = arith.index_cast %parallel_loop3A_564 : i32 to index
      %parallel_loop3A_570 = tpu.vector_load %arg5[%parallel_loop3A_567, %parallel_loop3A_568, %parallel_loop3A_569] {strides = array<i32>} : memref<2x16x512xf32, #tpu.memory_space<vmem>>, vector<1x1x16xf32>,
      %parallel_loop3A_571 = vector.shape_cast %parallel_loop3A_570 : vector<1x1x16xf32> to vector<16xf32>
      %parallel_loop3A_572 = arith.constant 17 : i32
      %parallel_loop3A_573 = vector.broadcast %parallel_loop3A_572 : i32 to vector<16xi32>
      %parallel_loop3A_574 = arith.shli %parallel_loop3A_198, %parallel_loop3A_573 : vector<16xi32>
      %parallel_loop3A_575 = arith.constant 0 : i32
      %parallel_loop3A_576 = vector.broadcast %parallel_loop3A_575 : i32 to vector<16xi32>
      %parallel_loop3A_577 = arith.cmpi slt, %parallel_loop3A_574, %parallel_loop3A_576 : vector<16xi32>
      %parallel_loop3A_578 = arith.select %parallel_loop3A_577, %parallel_loop3A_571, %broadcast_in_dim3A_3 : vector<16xi1>, vector<16xf32>
      %parallel_loop3A_579 = arith.constant 16 : i32
      %parallel_loop3A_580 = arith.muli %parallel_loop3A_191, %parallel_loop3A_579 : i32
      %parallel_loop3A_581 = arith.constant 1 : i32
      %parallel_loop3A_582 = arith.constant 14 : i32
      %parallel_loop3A_583 = arith.index_cast %parallel_loop3A_581 : i32 to index
      %parallel_loop3A_584 = arith.index_cast %parallel_loop3A_582 : i32 to index
      %parallel_loop3A_585 = arith.index_cast %parallel_loop3A_580 : i32 to index
      %parallel_loop3A_586 = tpu.vector_load %arg5[%parallel_loop3A_583, %parallel_loop3A_584, %parallel_loop3A_585] {strides = array<i32>} : memref<2x16x512xf32, #tpu.memory_space<vmem>>, vector<1x1x16xf32>,
      %parallel_loop3A_587 = vector.shape_cast %parallel_loop3A_586 : vector<1x1x16xf32> to vector<16xf32>
      %parallel_loop3A_588 = vector.shape_cast %parallel_loop3A_578 : vector<16xf32> to vector<1x1x16xf32>
      tpu.vector_store %arg5[%parallel_loop3A_583, %parallel_loop3A_584, %parallel_loop3A_585], %parallel_loop3A_588 {strides = array<i32>} : memref<2x16x512xf32, #tpu.memory_space<vmem>>, vector<1x1x16xf32>,
      %parallel_loop3A_589 = arith.constant 16 : i32
      %parallel_loop3A_590 = arith.muli %parallel_loop3A_191, %parallel_loop3A_589 : i32
      %parallel_loop3A_591 = arith.constant 1 : i32
      %parallel_loop3A_592 = arith.constant 15 : i32
      %parallel_loop3A_593 = arith.index_cast %parallel_loop3A_591 : i32 to index
      %parallel_loop3A_594 = arith.index_cast %parallel_loop3A_592 : i32 to index
      %parallel_loop3A_595 = arith.index_cast %parallel_loop3A_590 : i32 to index
      %parallel_loop3A_596 = tpu.vector_load %arg5[%parallel_loop3A_593, %parallel_loop3A_594, %parallel_loop3A_595] {strides = array<i32>} : memref<2x16x512xf32, #tpu.memory_space<vmem>>, vector<1x1x16xf32>,
      %parallel_loop3A_597 = vector.shape_cast %parallel_loop3A_596 : vector<1x1x16xf32> to vector<16xf32>
      %parallel_loop3A_598 = arith.constant 16 : i32
      %parallel_loop3A_599 = vector.broadcast %parallel_loop3A_598 : i32 to vector<16xi32>
      %parallel_loop3A_600 = arith.shli %parallel_loop3A_198, %parallel_loop3A_599 : vector<16xi32>
      %parallel_loop3A_601 = arith.constant 0 : i32
      %parallel_loop3A_602 = vector.broadcast %parallel_loop3A_601 : i32 to vector<16xi32>
      %parallel_loop3A_603 = arith.cmpi slt, %parallel_loop3A_600, %parallel_loop3A_602 : vector<16xi32>
      %parallel_loop3A_604 = arith.select %parallel_loop3A_603, %parallel_loop3A_597, %broadcast_in_dim3A_3 : vector<16xi1>, vector<16xf32>
      %parallel_loop3A_605 = arith.constant 16 : i32
      %parallel_loop3A_606 = arith.muli %parallel_loop3A_191, %parallel_loop3A_605 : i32
      %parallel_loop3A_607 = arith.constant 1 : i32
      %parallel_loop3A_608 = arith.constant 15 : i32
      %parallel_loop3A_609 = arith.index_cast %parallel_loop3A_607 : i32 to index
      %parallel_loop3A_610 = arith.index_cast %parallel_loop3A_608 : i32 to index
      %parallel_loop3A_611 = arith.index_cast %parallel_loop3A_606 : i32 to index
      %parallel_loop3A_612 = tpu.vector_load %arg5[%parallel_loop3A_609, %parallel_loop3A_610, %parallel_loop3A_611] {strides = array<i32>} : memref<2x16x512xf32, #tpu.memory_space<vmem>>, vector<1x1x16xf32>,
      %parallel_loop3A_613 = vector.shape_cast %parallel_loop3A_612 : vector<1x1x16xf32> to vector<16xf32>
      %parallel_loop3A_614 = vector.shape_cast %parallel_loop3A_604 : vector<16xf32> to vector<1x1x16xf32>
      tpu.vector_store %arg5[%parallel_loop3A_609, %parallel_loop3A_610, %parallel_loop3A_611], %parallel_loop3A_614 {strides = array<i32>} : memref<2x16x512xf32, #tpu.memory_space<vmem>>, vector<1x1x16xf32>,
    } {sc.loop_unroll_factor = 1 : i64, sc.parallel_access}
    %add3A_141 = arith.constant 512 : i32
    %add3A_142 = arith.addi %multiple_of3A, %add3A_141 : i32
    %dma_start3A_143 = arith.constant 1 : i32
    %dma_start3A_144 = arith.constant 1 : i32
    %dma_start3A_145 = arith.constant 0 : i32
    %dma_start3A_146 = arith.constant 0 : i32
    %dma_start3A_147 = tpu.memref_slice %arg5[%dma_start3A_143, %dma_start3A_145, %dma_start3A_146] : memref<2x16x512xf32, #tpu.memory_space<vmem>> -> memref<1x16x512xf32, #tpu.memory_space<vmem>>
    %dma_start3A_148 = tpu.memref_squeeze %dma_start3A_147 : memref<1x16x512xf32, #tpu.memory_space<vmem>> -> memref<16x512xf32, #tpu.memory_space<vmem>>
    %dma_start3A_149 = arith.constant 0 : i32
    %dma_start3A_150 = tpu.memref_slice %arg4[%dma_start3A_149, %add3A_142] : memref<16x32768xf32, #tpu.memory_space<hbm>> -> memref<16x512xf32, #tpu.memory_space<hbm>>
    %dma_start3A_151 = tpu.memref_slice %arg9[%dma_start3A_144] : memref<2x!tpu.dma_semaphore, #tpu.memory_space<semaphore_mem>> -> memref<1x!tpu.dma_semaphore, #tpu.memory_space<semaphore_mem>>
    %dma_start3A_152 = tpu.memref_squeeze %dma_start3A_151 : memref<1x!tpu.dma_semaphore, #tpu.memory_space<semaphore_mem>> -> memref<!tpu.dma_semaphore, #tpu.memory_space<semaphore_mem>>
    %dma_start3A_153 = arith.constant 0 : i32
    %dma_start3A_154 = tpu.memref_slice %arg4[%dma_start3A_153, %add3A_142] : memref<16x32768xf32, #tpu.memory_space<hbm>> -> memref<16x512xf32, #tpu.memory_space<hbm>>
    %dma_start3A_155 = arith.constant 0 : i32
    %dma_start3A_156 = arith.constant 0 : i32
    %dma_start3A_157 = tpu.memref_slice %arg5[%dma_start3A_143, %dma_start3A_155, %dma_start3A_156] : memref<2x16x512xf32, #tpu.memory_space<vmem>> -> memref<1x16x512xf32, #tpu.memory_space<vmem>>
    %dma_start3A_158 = tpu.memref_squeeze %dma_start3A_157 : memref<1x16x512xf32, #tpu.memory_space<vmem>> -> memref<16x512xf32, #tpu.memory_space<vmem>>
    tpu.enqueue_dma source(%dma_start3A_158 : memref<16x512xf32, #tpu.memory_space<vmem>>) target(%dma_start3A_154 : memref<16x512xf32, #tpu.memory_space<hbm>>) target_semaphore(%dma_start3A_152 : memref<!tpu.dma_semaphore, #tpu.memory_space<semaphore_mem>>)
    %dma_wait3A_159 = arith.constant 0 : i32
    %dma_wait3A_160 = arith.constant 0 : i32
    %dma_wait3A_161 = arith.constant 0 : i32
    %dma_wait3A_162 = arith.constant 0 : i32
    %dma_wait3A_163 = tpu.memref_slice %arg5[%dma_wait3A_159, %dma_wait3A_161, %dma_wait3A_162] : memref<2x16x512xf32, #tpu.memory_space<vmem>> -> memref<1x16x512xf32, #tpu.memory_space<vmem>>
    %dma_wait3A_164 = tpu.memref_squeeze %dma_wait3A_163 : memref<1x16x512xf32, #tpu.memory_space<vmem>> -> memref<16x512xf32, #tpu.memory_space<vmem>>
    %dma_wait3A_165 = arith.constant 0 : i32
    %dma_wait3A_166 = tpu.memref_slice %arg4[%dma_wait3A_165, %add3A_93] : memref<16x32768xf32, #tpu.memory_space<hbm>> -> memref<16x512xf32, #tpu.memory_space<hbm>>
    %dma_wait3A_167 = tpu.memref_slice %arg9[%dma_wait3A_160] : memref<2x!tpu.dma_semaphore, #tpu.memory_space<semaphore_mem>> -> memref<1x!tpu.dma_semaphore, #tpu.memory_space<semaphore_mem>>
    %dma_wait3A_168 = tpu.memref_squeeze %dma_wait3A_167 : memref<1x!tpu.dma_semaphore, #tpu.memory_space<semaphore_mem>> -> memref<!tpu.dma_semaphore, #tpu.memory_space<semaphore_mem>>
    %dma_wait3A_169 = arith.constant 0 : i32
    %dma_wait3A_170 = tpu.memref_slice %arg4[%dma_wait3A_169, %add3A_93] : memref<16x32768xf32, #tpu.memory_space<hbm>> -> memref<16x512xf32, #tpu.memory_space<hbm>>
    %dma_wait3A_171 = arith.constant 0 : i32
    %dma_wait3A_172 = arith.constant 0 : i32
    %dma_wait3A_173 = tpu.memref_slice %arg5[%dma_wait3A_159, %dma_wait3A_171, %dma_wait3A_172] : memref<2x16x512xf32, #tpu.memory_space<vmem>> -> memref<1x16x512xf32, #tpu.memory_space<vmem>>
    %dma_wait3A_174 = tpu.memref_squeeze %dma_wait3A_173 : memref<1x16x512xf32, #tpu.memory_space<vmem>> -> memref<16x512xf32, #tpu.memory_space<vmem>>
    tpu.wait_dma2 semaphore(%dma_wait3A_168 : memref<!tpu.dma_semaphore, #tpu.memory_space<semaphore_mem>>) src(%dma_wait3A_174 : memref<16x512xf32, #tpu.memory_space<vmem>>) dst(%dma_wait3A_170 : memref<16x512xf32, #tpu.memory_space<hbm>>)
    %dma_wait3A_175 = arith.constant 1 : i32
    %dma_wait3A_176 = arith.constant 1 : i32
    %dma_wait3A_177 = arith.constant 0 : i32
    %dma_wait3A_178 = arith.constant 0 : i32
    %dma_wait3A_179 = tpu.memref_slice %arg5[%dma_wait3A_175, %dma_wait3A_177, %dma_wait3A_178] : memref<2x16x512xf32, #tpu.memory_space<vmem>> -> memref<1x16x512xf32, #tpu.memory_space<vmem>>
    %dma_wait3A_180 = tpu.memref_squeeze %dma_wait3A_179 : memref<1x16x512xf32, #tpu.memory_space<vmem>> -> memref<16x512xf32, #tpu.memory_space<vmem>>
    %dma_wait3A_181 = arith.constant 0 : i32
    %dma_wait3A_182 = tpu.memref_slice %arg4[%dma_wait3A_181, %add3A_142] : memref<16x32768xf32, #tpu.memory_space<hbm>> -> memref<16x512xf32, #tpu.memory_space<hbm>>
    %dma_wait3A_183 = tpu.memref_slice %arg9[%dma_wait3A_176] : memref<2x!tpu.dma_semaphore, #tpu.memory_space<semaphore_mem>> -> memref<1x!tpu.dma_semaphore, #tpu.memory_space<semaphore_mem>>
    %dma_wait3A_184 = tpu.memref_squeeze %dma_wait3A_183 : memref<1x!tpu.dma_semaphore, #tpu.memory_space<semaphore_mem>> -> memref<!tpu.dma_semaphore, #tpu.memory_space<semaphore_mem>>
    %dma_wait3A_185 = arith.constant 0 : i32
    %dma_wait3A_186 = tpu.memref_slice %arg4[%dma_wait3A_185, %add3A_142] : memref<16x32768xf32, #tpu.memory_space<hbm>> -> memref<16x512xf32, #tpu.memory_space<hbm>>
    %dma_wait3A_187 = arith.constant 0 : i32
    %dma_wait3A_188 = arith.constant 0 : i32
    %dma_wait3A_189 = tpu.memref_slice %arg5[%dma_wait3A_175, %dma_wait3A_187, %dma_wait3A_188] : memref<2x16x512xf32, #tpu.memory_space<vmem>> -> memref<1x16x512xf32, #tpu.memory_space<vmem>>
    %dma_wait3A_190 = tpu.memref_squeeze %dma_wait3A_189 : memref<1x16x512xf32, #tpu.memory_space<vmem>> -> memref<16x512xf32, #tpu.memory_space<vmem>>
    tpu.wait_dma2 semaphore(%dma_wait3A_184 : memref<!tpu.dma_semaphore, #tpu.memory_space<semaphore_mem>>) src(%dma_wait3A_190 : memref<16x512xf32, #tpu.memory_space<vmem>>) dst(%dma_wait3A_186 : memref<16x512xf32, #tpu.memory_space<hbm>>)
    return
  }
}

module attributes {stable_mosaic.version = 14 : i64} {
  func.func @_tc_body(%arg0: i32, %arg1: memref<16x32768xf32, #tpu.memory_space<vmem>>, %arg2: memref<16x32768xi8, #tpu.memory_space<vmem>>, %arg3: memref<16x32768xf32, #tpu.memory_space<vmem>>) attributes {dimension_semantics = [#tpu.dimension_semantics<arbitrary>], iteration_bounds = array<i64: 3>, scalar_prefetch = 0 : i64, scratch_operands = 0 : i64, tpu.core_type = #tpu.core_type<tc>, window_params = [{transform_indices = @transform_0, window_bounds = array<i64: 16, 32768>}, {transform_indices = @transform_1, window_bounds = array<i64: 16, 32768>}, {transform_indices = @transform_2, window_bounds = array<i64: 16, 32768>}]} {
    %get3A = arith.constant 0 : index
    %get3A_0 = arith.constant 0 : index
    %get3A_1 = vector.load %arg2[%get3A, %get3A_0] : memref<16x32768xi8, #tpu.memory_space<vmem>>, vector<16x32768xi8>
    %ne3A = arith.constant 0 : i8
    %ne3A_2 = vector.broadcast %ne3A : i8 to vector<16x32768xi8>
    %ne3A_3 = arith.cmpi ne, %get3A_1, %ne3A_2 : vector<16x32768xi8>
    %get3A_4 = arith.constant 0 : index
    %get3A_5 = arith.constant 0 : index
    %get3A_6 = vector.load %arg1[%get3A_4, %get3A_5] : memref<16x32768xf32, #tpu.memory_space<vmem>>, vector<16x32768xf32>
    %jit3A = arith.constant 0.000000e+00 : f32
    %broadcast_in_dim3A = vector.broadcast %jit3A : f32 to vector<16x32768xf32>
    %select_n3A = arith.select %ne3A_3, %get3A_6, %broadcast_in_dim3A : vector<16x32768xi1>, vector<16x32768xf32>
    %swap3A = arith.constant 0 : index
    %swap3A_7 = arith.constant 0 : index
    %swap3A_8 = vector.load %arg3[%swap3A, %swap3A_7] : memref<16x32768xf32, #tpu.memory_space<vmem>>, vector<16x32768xf32>
    tpu.vector_store %arg3[%swap3A, %swap3A_7], %select_n3A {strides = array<i32>} : memref<16x32768xf32, #tpu.memory_space<vmem>>, vector<16x32768xf32>,
    return
  }
  func.func @transform_0(%arg0: i32) -> (i32, i32) {
    %add3A = arith.constant 1 : i32
    %add3A_0 = arith.addi %arg0, %add3A : i32
    %c0_i32 = arith.constant 0 : i32
    %c0_i32_1 = arith.constant 0 : i32
    return %add3A_0, %c0_i32 : i32, i32
  }
  func.func @transform_1(%arg0: i32) -> (i32, i32) {
    %add3A = arith.constant 1 : i32
    %add3A_0 = arith.addi %arg0, %add3A : i32
    %c0_i32 = arith.constant 0 : i32
    %c0_i32_1 = arith.constant 0 : i32
    return %add3A_0, %c0_i32 : i32, i32
  }
  func.func @transform_2(%arg0: i32) -> (i32, i32) {
    %add3A = arith.constant 1 : i32
    %add3A_0 = arith.addi %arg0, %add3A : i32
    %c0_i32 = arith.constant 0 : i32
    %c0_i32_1 = arith.constant 0 : i32
    return %add3A_0, %c0_i32 : i32, i32
  }
}

</mosaic_0001>

<sc_bundles>
// kernel: kernel.4.cloned.1.call-start
scs
__scs_entry_jumppad:
0x0: {  	(pc) =	sbr.rel $0x88, $3  }
0x1: {  	(tag) =	ssettag $0x0;
	lr =	simm.s32 $0x1  }
0x2: {  	[smem:$0x3F9F] =	sst lr;
	_ =	strace $0xD0000000  }
0x3: {  	_ = 	snop  }
0x4: {  	_ = 	snop  }
0x5: {  	_ = 	snop  }
0x6: {  	_ = 	snop  }
0x7: {  	_ = 	snop  }
__scs_overlays_trampoline_lowered:
0x8: {  	[smem:$0x3FAE] =	sst s0  }
0x9: {  	[smem:$0x3FAF] =	sst s1  }
0xa: {  	[smem:$0x3FB0] =	sst s2  }
0xb: {  	[smem:$0x3FB1] =	sst s3  }
0xc: {  	[smem:$0x3FB2] =	sst s4  }
0xd: {  	[smem:$0x3FB3] =	sst s5  }
0xe: {  	[smem:$0x3FB4] =	sst s6  }
0xf: {  	[smem:$0x3FB5] =	sst s7  }
0x10: {  	[smem:$0x3FB6] =	sst s8  }
0x11: {  	[smem:$0x3FB7] =	sst s9;
	s0 =	simm.s32 @!p0 $0x0  }
0x12: {  	s1 =	sld [smem:$0x3F9D];
	s0 =	simm.s32 @p0 $0x1  }
0x13: {  	[smem:$0x3FB8] =	sst s0;
	s0 =	simm.s32 @!p1 $0x0  }
0x14: {  	s2 =	sld [smem:$0x3F9C];
	s0 =	simm.s32 @p1 $0x1  }
0x15: {  	[smem:$0x3FB9] =	sst s0;
	s0 =	simm.s32 @!p2 $0x0  }
0x16: {  	s3 =	sld [smem:$0x3FDB];
	s0 =	simm.s32 @p2 $0x1  }
0x17: {  	s4 =	simm.s32 $0x1BF5;
	[smem:$0x3FBB] =	sst s0  }
0x18: {  	s0 =	sld [smem:$0x3F9E];
	_ =	swait.ge [sflag:s4], $0x0  }
0x19: {  	s7 =	sld [smem:$0x3F9F]  }
0x1a: {  	s8 =	sadd.s32 $0xFFFFE003, lr  }
0x1b: {  	s9 =	sadd.s32 $0xFFFFFEF7, lr;
	s5 =	simm.s32 $0xFFFFFFFF;
	p2 =	slt.u32 s8, $0xFFFFF086  }
0x1c: {  	p1 =	slt.u32 s9, $0xF7A;
	s5 =	simm.s32 @!p2 $0x0  }
0x1d: {  	s5 =	simm.s32 @p1 $0x1;
	p0 =	seq.s32 s7, s2  }
0x1e: {  	s7 =	smul.u32 @!p0 $0xF7A, s2;
	p2 =	seq.s32 @!p0 s5, $0x0  }
0x1f: {  	s9 =	smul.u32 $0xF7A, s1;
	s8 =	simm.s32 @!p0 $0x1BF5;
	p2 =	por !p2, p0  }
0x20: {  	[sflag:s8] =	ssyncset.s32 @!p0 $0xFFFFF086;
	s6 =	sadd.s32 @!p0 s3, s7;
	s7 =	simm.s32 @!p0 $0x108  }
0x21: {  	s3 =	sadd.s32 s3, s9;
	s6 =	sadd.s32 @!p0 $0x88, s6;
	s7 =	simm.s32 @p2 $0x1082  }
0x22: {  	[simem:s7], [sflag:s8] =	dma.local @!p0 [hbm:s6], $0xF7A  }
0x23: {  	s9 =	sor.u32 $0xD0000000, s2;
	s6 =	simm.s32 $0x108;
	_ =	swait.ge @!p0 [sflag:s8], $0x0  }
0x24: {  	s3 =	sadd.s32 $0x88, s3;
	s6 =	simm.s32 @!p1 $0x1082;
	[sflag:s4] =	ssyncset.s32 $0xFFFFF086  }
0x25: {  	[simem:s6], [sflag:s4] =	dma.local [hbm:s3], $0xF7A  }
0x26: {  	[smem:$0x3F9F] =	sst s1;
	(tag) =	ssettag s2;
	_ =	strace s9  }
0x27: {  	s1 =	sld [smem:$0x3FAF]  }
0x28: {  	s2 =	sld [smem:$0x3FB0]  }
0x29: {  	s4 =	sld [smem:$0x3FB2]  }
0x2a: {  	p0 =	seq.s32 s5, $0x0;
	s5 =	sld [smem:$0x3FB3]  }
0x2b: {  	s6 =	sld [smem:$0x3FB4]  }
0x2c: {  	s7 =	sld [smem:$0x3FB5]  }
0x2d: {  	s3 =	simm.s32 $0x108;
	s8 =	sld [smem:$0x3FB6]  }
0x2e: {  	s3 =	simm.s32 @!p0 $0x1082;
	s9 =	sld [smem:$0x3FB7]  }
0x2f: {  	lr =	sadd.s32 s0, s3;
	s0 =	sld [smem:$0x3FAE]  }
0x30: {  	s3 =	sld [smem:$0x3FB1]  }
0x31: {  	[smem:$0x3FBA] =	sst s10  }
0x32: {  	s10 =	sld [smem:$0x3FB8];
	_ =	sdelay $0x3  }
0x33: {  	p0 =	seq.s32 s10, $0x1;
	s10 =	sld [smem:$0x3FBA];
	_ =	sdelay $0x3  }
0x34: {  	[smem:$0x3FBA] =	sst s10  }
0x35: {  	s10 =	sld [smem:$0x3FB9];
	_ =	sdelay $0x3  }
0x36: {  	p1 =	seq.s32 s10, $0x1;
	s10 =	sld [smem:$0x3FBA];
	_ =	sdelay $0x3  }
0x37: {  	[smem:$0x3FBA] =	sst s10  }
0x38: {  	s10 =	sld [smem:$0x3FBB]  }
0x39: {  	_ = 	snop;
	(pc) =	sbr.ind lr, $3  }
0x3a: {  	_ = 	snop  }
0x3b: {  	_ = 	snop  }
0x3c: {  	p2 =	seq.s32 s10, $0x1;
	s10 =	sld [smem:$0x3FBA]  }
0x3d: {  	_ =	shalt  }
0x3e: {  	_ =	shalt  }
0x3f: {  	_ =	shalt  }
0x40: {  	_ =	shalt  }
0x41: {  	_ =	shalt  }
0x42: {  	_ =	shalt  }
0x43: {  	_ =	shalt  }
0x44: {  	_ =	shalt  }
0x45: {  	_ =	shalt  }
0x46: {  	_ =	shalt  }
0x47: {  	_ =	shalt  }
0x48: {  	_ =	shalt  }
0x49: {  	_ =	shalt  }
0x4a: {  	_ =	shalt  }
0x4b: {  	_ =	shalt  }
0x4c: {  	_ =	shalt  }
0x4d: {  	_ =	shalt  }
0x4e: {  	_ =	shalt  }
0x4f: {  	_ =	shalt  }
0x50: {  	_ =	shalt  }
0x51: {  	_ =	shalt  }
0x52: {  	_ =	shalt  }
0x53: {  	_ =	shalt  }
0x54: {  	_ =	shalt  }
0x55: {  	_ =	shalt  }
0x56: {  	_ =	shalt  }
0x57: {  	_ =	shalt  }
0x58: {  	_ =	shalt  }
0x59: {  	_ =	shalt  }
0x5a: {  	_ =	shalt  }
0x5b: {  	_ =	shalt  }
0x5c: {  	_ =	shalt  }
0x5d: {  	_ =	shalt  }
0x5e: {  	_ =	shalt  }
0x5f: {  	_ =	shalt  }
0x60: {  	_ =	shalt  }
0x61: {  	_ =	shalt  }
0x62: {  	_ =	shalt  }
0x63: {  	_ =	shalt  }
0x64: {  	_ =	shalt  }
0x65: {  	_ =	shalt  }
0x66: {  	_ =	shalt  }
0x67: {  	_ =	shalt  }
0x68: {  	_ =	shalt  }
0x69: {  	_ =	shalt  }
0x6a: {  	_ =	shalt  }
0x6b: {  	_ =	shalt  }
0x6c: {  	_ =	shalt  }
0x6d: {  	_ =	shalt  }
0x6e: {  	_ =	shalt  }
0x6f: {  	_ =	shalt  }
0x70: {  	_ =	shalt  }
0x71: {  	_ =	shalt  }
0x72: {  	_ =	shalt  }
0x73: {  	_ =	shalt  }
0x74: {  	_ =	shalt  }
0x75: {  	_ =	shalt  }
0x76: {  	_ =	shalt  }
0x77: {  	_ =	shalt  }
0x78: {  	_ =	shalt  }
0x79: {  	_ =	shalt  }
0x7a: {  	_ =	shalt  }
0x7b: {  	_ =	shalt  }
0x7c: {  	_ =	shalt  }
0x7d: {  	_ =	shalt  }
0x7e: {  	_ =	shalt  }
0x7f: {  	_ =	shalt  }
0x80: {  	_ =	shalt  }
0x81: {  	_ =	shalt  }
0x82: {  	_ =	shalt  }
0x83: {  	_ =	shalt  }
0x84: {  	_ =	shalt  }
0x85: {  	_ =	shalt  }
0x86: {  	_ =	shalt  }
0x87: {  	_ =	shalt  }
.Lfunc_end0:
.L_simem_size_0:
called_computation_lowered:
.L_overlay_start_0:
0x88: {  	s2 =	sld [smem:$0x3FD9]  }
0x89: {  	s3 =	sld [smem:$0x3FFE];
	_ =	sdelay $0x1  }
0x8a: {  	s1 =	srdreg.scid  }
0x8b: {  	s0 =	sand.u32 $0x1, s1  }
0x8c: {  	s17 =	sshll.u32 s0, $0xA;
	s2 =	sadd.s32 s3, s2  }
0x8d: {  	s2 =	sadd.s32 s2, s17  }
0x8e: {  	[smem:$0x3FC6] =	sst s2  }
0x8f: {  	_ = 	snop  }
0x90: {  	s2 =	sld [smem:$0x3FC9];
	(tm) =	ssettm $0x1  }
0x91: {  	s18 =	sld [smem:$0x3FFB];
	_ =	sdelay $0x3  }
0x92: {  	_ =	strace s18  }
0x93: {  	s3 =	sld [smem:$0x3FFC];
	_ =	sdelay $0x3  }
0x94: {  	_ =	strace s3  }
0x95: {  	s3 =	sld [smem:$0x3FFD];
	_ =	sdelay $0x3  }
0x96: {  	_ =	strace s3  }
0x97: {  	_ =	strace $0x8FFFFFFF  }
0x98: {  	s19 =	sld [smem:$0x3FDB];
	_ =	sdelay $0x1  }
0x99: {  	s4 =	simm.s32 $_scs_section_size  }
0x9a: {  	s5 =	simm.s32 $_size__tile_overlayer_lowered;
	s6 =	simm.s32 $_tile_overlayer_lowered  }
0x9b: {  	s22 =	simm.s32 $0x1BFF;
	s21 =	sshll.u32 s6, $0x1;
	s3 =	sadd.s32 s4, s19  }
0x9c: {  	s7 =	simm.s32 $0x0;
	s20 =	sshll.u32 s5, $0x1;
	s5 =	sadd.s32 s21, s3  }
0x9d: {  	[timem:s7], [sflag:s22] =	dma.local [hbm:s5], s20  }
0x9e: {  	_ =	swait.ge [sflag:s22], s20  }
0x9f: {  	s4 =	ssub.s32 $0x0, s20;
	[sflag:s22] =	ssyncset.done $0x0  }
0xa0: {  	[sflag:s22] =	ssyncadd.s32 s4;
	_ =	sdelay $0x1  }
0xa1: {  	s23 =	simm.s32 $0x1B8B  }
0xa2: {  	_ =	swait.ge [sflag:s23], $0x1  }
0xa3: {  	[sflag:s23] =	ssyncset.done $0x0  }
0xa4: {  	s25 =	simm.s32 $0x1B8E;
	s24 =	sld [smem:$0x3FFE];
	[sflag:s23] =	ssyncadd.s32 $0xFFFFFFFF  }
0xa5: {  	s26 =	simm.s32 $execute0_lowered;
	[smem:$0x3FD2] =	sst s25  }
0xa6: {  	s5 =	sshll.u32 s26, $0x1;
	_ =	strace $0x80000046;
	[dreg:$0x1] =	wrdreg $0xFFFFFFFF  }
0xa7: {  	s28 =	simm.s32 $_size_execute0_lowered;
	s3 =	sadd.s32 s3, s5;
	[dreg:$0x0] =	wrdreg $0x0  }
0xa8: {  	s5 =	sshll.u32 s28, $0x1;
	[dreg:$0x2] =	wrdreg s3  }
0xa9: {  	[dreg:$0x3] =	wrdreg s5  }
0xaa: {  	[dreg:$0x4] =	wrdreg $0xC0  }
0xab: {  	_ =	task [dreg:s7], $0x5FFFF  }
0xac: {  	[dreg:$0x1] =	wrdreg $0xFFFFFFFF  }
0xad: {  	[dreg:$0x0] =	wrdreg $0x60  }
0xae: {  	[dreg:$0x2] =	wrdreg s2  }
0xaf: {  	[dreg:$0x3] =	wrdreg s24  }
0xb0: {  	[dreg:$0x4] =	wrdreg $0x9  }
0xb1: {  	_ =	task.clear_ibuf [dreg:s7], $0x5FFFF;
	_ =	strace $0x90000046  }
0xb2: {  	s29 =	simm.s32 $0x9;
	_ =	strace $0x80000048  }
0xb3: {  	_ =	swait.ge [sflag:s29], $0x1  }
0xb4: {  	[sflag:s29] =	ssyncadd.s32 $0xFFFFFFFF  }
0xb5: {  	_ =	strace $0x90000048  }
0xb6: {  	_ =	sfence  }
0xb7: {  	s30 =	sld [smem:$0x0];
	_ =	sdelay $0x2  }
0xb8: {  	s31 =	sshll.u32 s1, $0xD;
	s1 =	sshrl.u32 s1, $0x2  }
0xb9: {  	s3 =	sand.u32 $0x4000, s31;
	s1 =	sadd.s32 s1, s30  }
0xba: {  	s0 =	sor.u32 s3, s0;
	s1 =	sshll.u32 s1, $0x11  }
0xbb: {  	s0 =	sor.u32 s1, s0  }
0xbc: {  	s0 =	sadd.s32 $0x8F2B, s0  }
0xbd: {  	[sflag:s0] =	ssyncadd.remote.s32 $0x1  }
0xbe: {  	_ =	sfence.sel $0xFFFF  }
0xbf: {  	[dreg:$0x0] =	wrdreg $0xFFFFFFFF;
	(pc) =	sbr.abs _section_cstart, $3  }
0xc0: {  	[dreg:$0x1] =	wrdreg $0xFFFFFFFF  }
0xc1: {  	_ =	task.clear_ibuf [dreg:s7], $0x2FFFF;
	_ =	strace $0x9FFFFFFF  }
0xc2: {  	(tm) =	ssettm $0x7FFFFFFF  }
0xc3: {  	_ =	shalt  }
tec
execute0_lowered:
.L_overlay_start_1:
0x0: {  	(tag) =	ssettag $0x1  }
0x1: {  	s0 =	rddreg [dreg:$0x0]  }
0x2: {  	s1 =	rddreg [dreg:$0x1];
	s2 =	simm.s32 $0x0  }
0x3: {  	s3 =	srdreg.scid;
	s4 =	stileid.u32;
	s16 =	simm.s32 $0x1000  }
0x4: {  	s17 =	simm.s32 $0x40000;
	s22 =	simm.s32 $0x2000;
	s28 =	simm.s32 $0x1  }
0x5: {  	s29 =	simm.s32 $0x3;
	s30 =	simm.s32 $0x2;
	s31 =	simm.s32 $0x4  }
0x6: {  	s18 =	simm.s32 $0x0;
	[smem:$0x7FF] =	sst s2;
	s3 =	sand.u32 $0x1, s3  }
0x7: {  	s4 =	sshll.u32 s4, $0xB;
	s6 =	sadd.s32 $0x800, s1;
	s5 =	sshll.u32 s3, $0xA  }
0x8: {  	s1 =	sadd.s32 $0x1800, s1;
	s3 =	ssub.s32 $0x2, s3;
	s7 =	sor.u32 s5, s4  }
0x9: {  	_ =	strace $0x80000047;
	s23 =	sshrl.u32 s3, $0x1;
	s5 =	sshrl.u32 s7, $0x7  }
0xa: {  	s9 =	ssub.s32 s3, s23;
	s24 =	sadd.s32 s0, s7;
	s26 =	sshrl.u32 s7, $0x3  }
0xb: {  	s7 =	sadd.s32 s1, s7;
	[dreg:$0x3] =	wrdreg s24;
	s25 =	sor.u32 $0x4, s5  }
0xc: {  	s4 =	sadd.s32 s6, s26;
	s9 =	smax.u32 s9, $0x1;
	s8 =	sshll.u32 s25, $0x7  }
0xd: {  	s10 =	sshll.u32 s25, $0x4;
	s11 =	sadd.s32 $0x20, s4;
	s12 =	sadd.s32 $0x30, s4  }
0xe: {  	s5 =	sadd.s32 s0, s8;
	s6 =	sadd.s32 s6, s10;
	s8 =	sadd.s32 s1, s8  }
0xf: {  	s10 =	sadd.s32 $0x10, s4;
	s0 =	simm.s32 $0x5;
	s1 =	simm.s32 $0x6  }
0x10: {  	s13 =	sadd.s32 $0x10, s6;
	s14 =	sadd.s32 $0x20, s6;
	s15 =	sadd.s32 $0x30, s6  }
.LBB2_1:
0x11: {  	s3 =	rddreg [dreg:$0x3]  }
0x12: {  	[tilespmem:s2], [sflag:$0x1] =	stream.strided.gather [hbm4b:s3+s16], $0x2000, s17, s16, $0x38;
	[tilespmem:$0x4400] =	vst v63  }
0x13: {  	s20 =	simm.s32 $0x4000  }
0x14: {  	[tilespmem:s20], [sflag:$0x3] =	stream.linear.gather [hbm4b:s4+s2], $0x80, $0x38;
	[tilespmem:$0x4400] =	vst v63  }
0x15: {  	s21 =	simm.s32 $0x4100  }
0x16: {  	[tilespmem:s21], [sflag:$0x3] =	stream.linear.gather [hbm4b:s10+s2], $0x80, $0x38;
	[tilespmem:$0x4400] =	vst v63  }
0x17: {  	s23 =	simm.s32 $0x4200  }
0x18: {  	[tilespmem:s23], [sflag:$0x3] =	stream.linear.gather [hbm4b:s11+s2], $0x80, $0x38;
	[tilespmem:$0x4400] =	vst v63  }
0x19: {  	s24 =	simm.s32 $0x4300  }
0x1a: {  	[tilespmem:s24], [sflag:$0x3] =	stream.linear.gather [hbm4b:s12+s2], $0x80, $0x38;
	[tilespmem:$0x4400] =	vst v63  }
0x1b: {  	_ = 	snop  }
0x1c: {  	[tilespmem:s22], [sflag:$0x2] =	stream.strided.gather [hbm4b:s5+s16], $0x2000, s17, s16, $0x38;
	[tilespmem:$0x4400] =	vst v63  }
0x1d: {  	s25 =	simm.s32 $0x4080  }
0x1e: {  	[tilespmem:s25], [sflag:$0x4] =	stream.linear.gather [hbm4b:s6+s2], $0x80, $0x38;
	[tilespmem:$0x4400] =	vst v63  }
0x1f: {  	s26 =	simm.s32 $0x4180  }
0x20: {  	[tilespmem:s26], [sflag:$0x4] =	stream.linear.gather [hbm4b:s13+s2], $0x80, $0x38;
	[tilespmem:$0x4400] =	vst v63  }
0x21: {  	s19 =	simm.s32 $0x4280  }
0x22: {  	[tilespmem:s19], [sflag:$0x4] =	stream.linear.gather [hbm4b:s14+s2], $0x80, $0x38;
	[tilespmem:$0x4400] =	vst v63  }
0x23: {  	s20 =	simm.s32 $0x4380  }
0x24: {  	[tilespmem:s20], [sflag:$0x4] =	stream.linear.gather [hbm4b:s15+s2], $0x80, $0x38;
	[tilespmem:$0x4400] =	vst v63  }
0x25: {  	_ =	swait.ge [sflag:s28], $0x2000  }
0x26: {  	[sflag:s28] =	ssyncset.done $0x0  }
0x27: {  	[sflag:s28] =	ssyncadd.s32 $0xFFFFE000  }
0x28: {  	s19 =	sand.u32 $0xC00, s2;
	_ =	swait.ge [sflag:s29], $0x200  }
0x29: {  	s21 =	sshrl.u32 s19, $0x2;
	s20 =	sand.u32 $0x70, s2;
	[sflag:s29] =	ssyncset.done $0x0  }
0x2a: {  	s21 =	sor.u32 s20, s21;
	[sflag:s29] =	ssyncadd.s32 $0xFFFFFE00  }
0x2b: {  	s19 =	sor.u32 s20, s19;
	v0 =	vld [tilespmem:s21+$0x4000]  }
0x2c: {  	v1 =	vld [tilespmem:s19+$0x1380]  }
0x2d: {  	v2 =	vld [tilespmem:s19+$0x0]  }
0x2e: {  	v3 =	vld [tilespmem:s19+$0x80]  }
0x2f: {  	v4 =	vld [tilespmem:s19+$0x100]  }
0x30: {  	v6 =	vld [tilespmem:s19+$0x180];
	v5 =	vand.u32 $0x8000, v0  }
0x31: {  	v7 =	vld [tilespmem:s19+$0x280];
	v9 =	vand.u32 $0x1, v0;
	v11 =	vand.u32 $0x2, v0;
	v12 =	vand.u32 $0x4, v0  }
0x32: {  	v8 =	vld [tilespmem:s19+$0x380];
	v13 =	vand.u32 $0x8, v0;
	v15 =	vand.u32 $0x10, v0;
	v16 =	vand.u32 $0x20, v0  }
0x33: {  	v10 =	vld [tilespmem:s19+$0x1000];
	v17 =	vand.u32 $0x40, v0;
	v19 =	vand.u32 $0x80, v0;
	v20 =	vand.u32 $0x100, v0  }
0x34: {  	v14 =	vld [tilespmem:s19+$0x1080];
	v21 =	vand.u32 $0x200, v0;
	v23 =	vand.u32 $0x400, v0;
	v24 =	vand.u32 $0x800, v0  }
0x35: {  	v18 =	vld [tilespmem:s19+$0x1100];
	v25 =	vand.u32 $0x1000, v0;
	v26 =	vand.u32 $0x2000, v0;
	v0 =	vand.u32 $0x4000, v0  }
0x36: {  	v22 =	vld [tilespmem:s19+$0x1180];
	vm0 =	veq.s32 v5, $0x0;
	vm1 =	veq.s32 v11, $0x0;
	vm2 =	veq.s32 v15, $0x0  }
0x37: {  	s21 =	simm.s32 $0x80;
	v5 =	vld [tilespmem:s19+$0x200];
	vm3 =	veq.s32 v16, $0x0;
	vm4 =	veq.s32 v17, $0x0;
	vm5 =	veq.s32 v19, $0x0  }
0x38: {  	s23 =	simm.s32 $0x10;
	s20 =	sand.u32 $0xC00, s21;
	v11 =	vld [tilespmem:s19+$0x1280];
	vm6 =	veq.s32 v20, $0x0;
	vm7 =	veq.s32 v21, $0x0;
	vm8 =	veq.s32 v23, $0x0  }
0x39: {  	s21 =	sand.u32 $0x70, s23;
	s23 =	sshrl.u32 s20, $0x2;
	vm9 =	veq.s32 v24, $0x0;
	v1 =	vsel vm0, $0x0, v1;
	vm0 =	veq.s32 v9, $0x0;
	v9 =	vld [tilespmem:s19+$0x1200]  }
0x3a: {  	s23 =	sor.u32 s21, s23;
	vm10 =	veq.s32 v25, $0x0;
	vm11 =	veq.s32 v26, $0x0;
	[tilespmem:s19+$0x1380] =	vst v1;
	v1 =	vld [tilespmem:s19+$0x300];
	v2 =	vsel vm0, $0x0, v2  }
0x3b: {  	s20 =	sor.u32 s21, s20;
	vm12 =	veq.s32 v0, $0x0;
	v3 =	vsel vm1, $0x0, v3;
	vm1 =	veq.s32 v13, $0x0;
	[tilespmem:s19+$0x0] =	vst v2;
	v2 =	vld [tilespmem:s23+$0x4000]  }
0x3c: {  	v48 =	vld [tilespmem:s20+$0x300];
	v7 =	vsel vm3, $0x0, v7;
	v8 =	vsel vm5, $0x0, v8;
	vm0 =	veq.s32 v12, $0x0  }
0x3d: {  	v51 =	vld [tilespmem:s20+$0x380];
	v10 =	vsel vm6, $0x0, v10;
	[tilespmem:s19+$0x80] =	vst v3;
	v0 =	vsel vm0, $0x0, v4;
	v4 =	vsel vm1, $0x0, v6  }
0x3e: {  	v27 =	vld [tilespmem:s20+$0x1000];
	[tilespmem:s19+$0x100] =	vst v0;
	v0 =	vsel vm7, $0x0, v14;
	v14 =	vsel vm8, $0x0, v18;
	v18 =	vsel vm9, $0x0, v22  }
0x3f: {  	v30 =	vld [tilespmem:s20+$0x1080];
	[tilespmem:s19+$0x180] =	vst v4;
	v5 =	vsel vm2, $0x0, v5;
	v11 =	vsel vm11, $0x0, v11;
	v4 =	vsel vm10, $0x0, v9  }
0x40: {  	v15 =	vld [tilespmem:s20+$0x100];
	[tilespmem:s19+$0x280] =	vst v7;
	v1 =	vsel vm4, $0x0, v1;
	v16 =	vand.u32 $0x8000, v2;
	v19 =	vand.u32 $0x1, v2  }
0x41: {  	v17 =	vld [tilespmem:s20+$0x180];
	[tilespmem:s19+$0x200] =	vst v5;
	v5 =	vand.u32 $0x4, v2;
	v47 =	vand.u32 $0x8, v2;
	v7 =	vand.u32 $0x10, v2  }
0x42: {  	v13 =	vld [tilespmem:s20+$0x0];
	v49 =	vand.u32 $0x20, v2;
	v50 =	vand.u32 $0x40, v2;
	[tilespmem:s19+$0x300] =	vst v1;
	v1 =	vand.u32 $0x80, v2  }
0x43: {  	v3 =	vld [tilespmem:s20+$0x1380];
	[tilespmem:s19+$0x380] =	vst v8;
	v52 =	vand.u32 $0x100, v2;
	v53 =	vand.u32 $0x200, v2;
	v8 =	vand.u32 $0x400, v2  }
0x44: {  	v12 =	vld [tilespmem:s19+$0x1300];
	[tilespmem:s19+$0x1000] =	vst v10;
	v28 =	vand.u32 $0x800, v2;
	v29 =	vand.u32 $0x1000, v2;
	v10 =	vand.u32 $0x2000, v2  }
0x45: {  	v6 =	vld [tilespmem:s20+$0x80];
	vm0 =	veq.s32 v16, $0x0;
	vm1 =	veq.s32 v19, $0x0;
	vm3 =	veq.s32 v5, $0x0  }
0x46: {  	s24 =	simm.s32 $0x100;
	[tilespmem:s19+$0x1080] =	vst v0;
	v9 =	vld [tilespmem:s20+$0x280];
	vm4 =	veq.s32 v47, $0x0;
	vm5 =	veq.s32 v7, $0x0;
	vm6 =	veq.s32 v49, $0x0  }
0x47: {  	s25 =	simm.s32 $0x20;
	s21 =	sand.u32 $0xC00, s24;
	[tilespmem:s19+$0x1100] =	vst v14;
	v16 =	vld [tilespmem:s20+$0x200];
	vm7 =	veq.s32 v1, $0x0;
	vm8 =	veq.s32 v53, $0x0;
	vm9 =	veq.s32 v8, $0x0  }
0x48: {  	s24 =	sshrl.u32 s21, $0x2;
	s23 =	sand.u32 $0x70, s25;
	[tilespmem:s19+$0x1280] =	vst v11;
	v19 =	vld [tilespmem:s20+$0x1100];
	vm10 =	veq.s32 v28, $0x0;
	vm11 =	veq.s32 v29, $0x0;
	v3 =	vsel vm0, $0x0, v3  }
0x49: {  	s24 =	sor.u32 s23, s24;
	[tilespmem:s19+$0x1200] =	vst v4;
	v5 =	vld [tilespmem:s20+$0x1200];
	vm0 =	vmmov vm12;
	v0 =	vsel vm1, $0x0, v13;
	vm1 =	veq.s32 v50, $0x0  }
0x4a: {  	vm12 =	veq.s32 v10, $0x0;
	v10 =	vld [tilespmem:s24+$0x4000];
	v11 =	vsel vm7, $0x0, v51;
	v14 =	vsel vm8, $0x0, v30;
	[tilespmem:s20+$0x1380] =	vst v3  }
0x4b: {  	s21 =	sor.u32 s23, s21;
	v3 =	vand.u32 $0x2, v2;
	v2 =	vand.u32 $0x4000, v2;
	[tilespmem:s20+$0x0] =	vst v0;
	v0 =	vld [tilespmem:s20+$0x1300];
	v7 =	vsel vm6, $0x0, v9  }
0x4c: {  	v9 =	vld [tilespmem:s21+$0x1380];
	[tilespmem:s20+$0x1080] =	vst v14;
	vm2 =	veq.s32 v3, $0x0;
	vm13 =	veq.s32 v2, $0x0;
	v2 =	vsel vm4, $0x0, v17  }
0x4d: {  	v8 =	vsel vm1, $0x0, v48;
	v14 =	vld [tilespmem:s21+$0x1080];
	v1 =	vsel vm2, $0x0, v6;
	vm2 =	veq.s32 v52, $0x0;
	[tilespmem:s20+$0x180] =	vst v2  }
0x4e: {  	v3 =	vld [tilespmem:s20+$0x1180];
	v2 =	vsel vm0, $0x0, v12;
	vm0 =	vmmov vm13;
	[tilespmem:s20+$0x80] =	vst v1;
	v1 =	vsel vm3, $0x0, v15  }
0x4f: {  	[tilespmem:s20+$0x280] =	vst v7;
	v7 =	vld [tilespmem:s21+$0x280];
	v4 =	vsel vm5, $0x0, v16;
	v13 =	vsel vm2, $0x0, v27;
	v15 =	vsel vm9, $0x0, v19  }
0x50: {  	[tilespmem:s20+$0x380] =	vst v11;
	v6 =	vld [tilespmem:s20+$0x1280];
	v17 =	vsel vm11, $0x0, v5;
	v12 =	vand.u32 $0x1, v10;
	v19 =	vand.u32 $0x2, v10  }
0x51: {  	v5 =	vld [tilespmem:s21+$0x180];
	[tilespmem:s20+$0x100] =	vst v1;
	v54 =	vand.u32 $0x4, v10;
	v55 =	vand.u32 $0x8, v10;
	v56 =	vand.u32 $0x10, v10  }
0x52: {  	v1 =	vld [tilespmem:s21+$0x0];
	[tilespmem:s20+$0x200] =	vst v4;
	v57 =	vand.u32 $0x20, v10;
	v58 =	vand.u32 $0x40, v10;
	v59 =	vand.u32 $0x80, v10  }
0x53: {  	v4 =	vld [tilespmem:s21+$0x100];
	v60 =	vand.u32 $0x100, v10;
	v61 =	vand.u32 $0x200, v10;
	v62 =	vand.u32 $0x400, v10;
	[tilespmem:s20+$0x1000] =	vst v13  }
0x54: {  	v63 =	vand.u32 $0x800, v10;
	v13 =	vand.u32 $0x1000, v10;
	v11 =	vand.u32 $0x2000, v10;
	[tilespmem:s20+$0x1100] =	vst v15;
	v15 =	vld [tilespmem:s21+$0x1100]  }
0x55: {  	[tilespmem:s19+$0x1180] =	vst v18;
	vm11 =	veq.s32 v19, $0x0;
	vm9 =	veq.s32 v55, $0x0;
	v16 =	vsel vm10, $0x0, v3;
	v3 =	vld [tilespmem:s21+$0x80]  }
0x56: {  	[tilespmem:s20+$0x300] =	vst v8;
	v18 =	vsel vm12, $0x0, v6;
	v6 =	vand.u32 $0x8000, v10;
	vm12 =	veq.s32 v12, $0x0;
	v12 =	vld [tilespmem:s21+$0x1000]  }
0x57: {  	[tilespmem:s20+$0x1200] =	vst v17;
	vm7 =	veq.s32 v56, $0x0;
	vm4 =	veq.s32 v57, $0x0;
	vm1 =	veq.s32 v6, $0x0;
	v6 =	vld [tilespmem:s21+$0x200]  }
0x58: {  	vm8 =	veq.s32 v58, $0x0;
	vm5 =	veq.s32 v59, $0x0;
	[tilespmem:s20+$0x1180] =	vst v16;
	v8 =	vsel vm1, $0x0, v9;
	v9 =	vld [tilespmem:s21+$0x380]  }
0x59: {  	s26 =	simm.s32 $0x180;
	vm6 =	veq.s32 v61, $0x0;
	vm3 =	veq.s32 v62, $0x0;
	vm2 =	veq.s32 v63, $0x0;
	[tilespmem:s21+$0x1380] =	vst v8;
	v8 =	vld [tilespmem:s21+$0x300]  }
0x5a: {  	s25 =	sand.u32 $0xC00, s26;
	s23 =	simm.s32 $0x200;
	s24 =	simm.s32 $0x30;
	vm10 =	veq.s32 v54, $0x0;
	v10 =	vand.u32 $0x4000, v10;
	v16 =	vld [tilespmem:s21+$0x1180];
	[tilespmem:s20+$0x1280] =	vst v18;
	vm1 =	veq.s32 v60, $0x0  }
.LBB2_2:
0x5b: {  	p0 =	sne.s32 s23, $0xF80;
	s26 =	sand.u32 $0x70, s24;
	s3 =	sshrl.u32 s25, $0x2;
	v17 =	vld [tilespmem:s21+$0x1200];
	vm14 =	veq.s32 v13, $0x0;
	vm13 =	veq.s32 v11, $0x0;
	vm15 =	veq.s32 v10, $0x0;
	[tilespmem:s19+$0x1300] =	vst v2  }
0x5c: {  	v1 =	vsel vm12, $0x0, v1;
	v2 =	vsel vm11, $0x0, v3;
	v3 =	vsel vm10, $0x0, v4;
	s19 =	smov.u32 s20;
	s20 =	smov.u32 s21;
	s3 =	sor.u32 s26, s3;
	v4 =	vld [tilespmem:s21+$0x1280]  }
0x5d: {  	v5 =	vsel vm9, $0x0, v5;
	v6 =	vsel vm7, $0x0, v6;
	v7 =	vsel vm4, $0x0, v7;
	v10 =	vld [tilespmem:s3+$0x4000];
	[tilespmem:s20+$0x0] =	vst v1  }
0x5e: {  	v8 =	vsel vm8, $0x0, v8;
	v9 =	vsel vm5, $0x0, v9;
	s21 =	sor.u32 s26, s25;
	v11 =	vsel vm1, $0x0, v12;
	[tilespmem:s20+$0x80] =	vst v2;
	v12 =	vld [tilespmem:s20+$0x1300]  }
0x5f: {  	v14 =	vsel vm6, $0x0, v14;
	v15 =	vsel vm3, $0x0, v15;
	v13 =	vld [tilespmem:s21+$0x1380];
	[tilespmem:s20+$0x100] =	vst v3;
	v16 =	vsel vm2, $0x0, v16  }
0x60: {  	v2 =	vsel vm0, $0x0, v0;
	vm0 =	vmmov vm15;
	v1 =	vld [tilespmem:s21+$0x0];
	[tilespmem:s20+$0x180] =	vst v5;
	v17 =	vsel vm14, $0x0, v17  }
0x61: {  	v3 =	vld [tilespmem:s21+$0x80];
	[tilespmem:s20+$0x200] =	vst v6;
	v18 =	vsel vm13, $0x0, v4  }
0x62: {  	v19 =	vand.u32 $0x1, v10;
	v20 =	vand.u32 $0x2, v10;
	v4 =	vld [tilespmem:s21+$0x100];
	v6 =	vand.u32 $0x8000, v10;
	[tilespmem:s20+$0x280] =	vst v7  }
0x63: {  	v21 =	vand.u32 $0x4, v10;
	v22 =	vand.u32 $0x8, v10;
	v5 =	vld [tilespmem:s21+$0x180];
	vm1 =	veq.s32 v6, $0x0;
	[tilespmem:s20+$0x300] =	vst v8;
	v0 =	vmovc v12  }
0x64: {  	v23 =	vand.u32 $0x10, v10;
	v24 =	vand.u32 $0x20, v10;
	v6 =	vld [tilespmem:s21+$0x200];
	v8 =	vsel vm1, $0x0, v13;
	[tilespmem:s20+$0x380] =	vst v9  }
0x65: {  	v25 =	vand.u32 $0x40, v10;
	v26 =	vand.u32 $0x80, v10;
	v27 =	vand.u32 $0x100, v10;
	v7 =	vld [tilespmem:s21+$0x280];
	[tilespmem:s21+$0x1380] =	vst v8  }
0x66: {  	v28 =	vand.u32 $0x200, v10;
	v29 =	vand.u32 $0x400, v10;
	v30 =	vand.u32 $0x800, v10;
	v8 =	vld [tilespmem:s21+$0x300];
	[tilespmem:s20+$0x1000] =	vst v11  }
.Ltmp0:
0x67: {  	v13 =	vand.u32 $0x1000, v10;
	v11 =	vand.u32 $0x2000, v10;
	v10 =	vand.u32 $0x4000, v10;
	v9 =	vld [tilespmem:s21+$0x380];
	[tilespmem:s20+$0x1080] =	vst v14;
	(pc) =	sbr.rel @p0 .LBB2_2-.Ltmp0, $4  }
0x68: {  	vm12 =	veq.s32 v19, $0x0;
	vm11 =	veq.s32 v20, $0x0;
	vm10 =	veq.s32 v21, $0x0;
	v12 =	vld [tilespmem:s21+$0x1000];
	[tilespmem:s20+$0x1100] =	vst v15  }
0x69: {  	vm9 =	veq.s32 v22, $0x0;
	vm7 =	veq.s32 v23, $0x0;
	vm4 =	veq.s32 v24, $0x0;
	v14 =	vld [tilespmem:s21+$0x1080];
	[tilespmem:s20+$0x1180] =	vst v16  }
0x6a: {  	vm8 =	veq.s32 v25, $0x0;
	vm5 =	veq.s32 v26, $0x0;
	vm1 =	veq.s32 v27, $0x0;
	v15 =	vld [tilespmem:s21+$0x1100];
	[tilespmem:s20+$0x1200] =	vst v17  }
0x6b: {  	s24 =	sadd.s32 $0x10, s24;
	s25 =	sand.u32 $0xC00, s23;
	s23 =	sadd.s32 $0x80, s23;
	vm6 =	veq.s32 v28, $0x0;
	vm3 =	veq.s32 v29, $0x0;
	vm2 =	veq.s32 v30, $0x0;
	v16 =	vld [tilespmem:s21+$0x1180];
	[tilespmem:s20+$0x1280] =	vst v18  }
0x6c: {  	v1 =	vsel vm12, $0x0, v1;
	[tilespmem:s19+$0x1300] =	vst v2  }
0x6d: {  	v3 =	vsel vm11, $0x0, v3;
	[tilespmem:s21+$0x0] =	vst v1  }
0x6e: {  	s3 =	sand.u32 $0x70, s24;
	s23 =	sshrl.u32 s25, $0x2;
	v2 =	vsel vm10, $0x0, v4;
	[tilespmem:s21+$0x80] =	vst v3  }
0x6f: {  	v4 =	vsel vm9, $0x0, v5;
	s23 =	sor.u32 s3, s23;
	[tilespmem:s21+$0x100] =	vst v2  }
0x70: {  	v0 =	vsel vm0, $0x0, v0;
	[tilespmem:s21+$0x180] =	vst v4;
	v1 =	vld [tilespmem:s23+$0x4000]  }
0x71: {  	v17 =	vld [tilespmem:s21+$0x1200];
	s3 =	sor.u32 s3, s25;
	v2 =	vsel vm7, $0x0, v6;
	[tilespmem:s20+$0x1300] =	vst v0  }
0x72: {  	v4 =	vsel vm4, $0x0, v7;
	v5 =	vld [tilespmem:s3+$0x1380];
	[tilespmem:s21+$0x200] =	vst v2  }
0x73: {  	v2 =	vsel vm8, $0x0, v8;
	[tilespmem:s21+$0x280] =	vst v4  }
0x74: {  	v4 =	vsel vm5, $0x0, v9;
	[tilespmem:s21+$0x300] =	vst v2  }
0x75: {  	[tilespmem:s21+$0x380] =	vst v4;
	v4 =	vsel vm1, $0x0, v12;
	v6 =	vand.u32 $0x8000, v1  }
0x76: {  	v18 =	vld [tilespmem:s21+$0x1280];
	vm1 =	veq.s32 v13, $0x0;
	[tilespmem:s21+$0x1000] =	vst v4;
	v4 =	vsel vm3, $0x0, v15;
	vm4 =	veq.s32 v6, $0x0  }
0x77: {  	[tilespmem:s21+$0x1100] =	vst v4;
	v4 =	vsel vm1, $0x0, v17;
	v2 =	vsel vm4, $0x0, v5;
	v5 =	vld [tilespmem:s3+$0x0]  }
0x78: {  	[tilespmem:s21+$0x1200] =	vst v4;
	v6 =	vld [tilespmem:s3+$0x80]  }
0x79: {  	v7 =	vld [tilespmem:s3+$0x100];
	vm1 =	veq.s32 v10, $0x0;
	[tilespmem:s3+$0x1380] =	vst v2;
	v2 =	vsel vm6, $0x0, v14  }
0x7a: {  	v9 =	vld [tilespmem:s3+$0x180];
	v8 =	vand.u32 $0x1, v1;
	[tilespmem:s21+$0x1080] =	vst v2;
	v2 =	vsel vm2, $0x0, v16;
	vm2 =	veq.s32 v11, $0x0  }
0x7b: {  	v10 =	vld [tilespmem:s3+$0x200];
	v4 =	vand.u32 $0x2, v1;
	vm0 =	veq.s32 v8, $0x0;
	[tilespmem:s21+$0x1180] =	vst v2;
	v2 =	vsel vm2, $0x0, v18  }
0x7c: {  	v8 =	vld [tilespmem:s3+$0x280];
	vm2 =	veq.s32 v4, $0x0;
	[tilespmem:s21+$0x1280] =	vst v2;
	v2 =	vand.u32 $0x4, v1;
	v0 =	vsel vm0, $0x0, v5  }
0x7d: {  	v4 =	vand.u32 $0x8, v1;
	v5 =	vld [tilespmem:s3+$0x300];
	vm0 =	veq.s32 v2, $0x0;
	v2 =	vsel vm2, $0x0, v6;
	[tilespmem:s3+$0x0] =	vst v0  }
0x7e: {  	v6 =	vld [tilespmem:s3+$0x380];
	vm2 =	veq.s32 v4, $0x0;
	v0 =	vand.u32 $0x10, v1;
	v4 =	vsel vm0, $0x0, v7;
	[tilespmem:s3+$0x80] =	vst v2  }
0x7f: {  	v2 =	vand.u32 $0x20, v1;
	v7 =	vld [tilespmem:s3+$0x1000];
	vm0 =	veq.s32 v0, $0x0;
	v0 =	vsel vm2, $0x0, v9;
	[tilespmem:s3+$0x100] =	vst v4  }
0x80: {  	v4 =	vand.u32 $0x40, v1;
	vm2 =	veq.s32 v2, $0x0;
	v2 =	vld [tilespmem:s3+$0x1080];
	v9 =	vsel vm0, $0x0, v10;
	[tilespmem:s3+$0x180] =	vst v0  }
0x81: {  	v0 =	vand.u32 $0x80, v1;
	vm0 =	veq.s32 v4, $0x0;
	v4 =	vld [tilespmem:s3+$0x1100];
	v8 =	vsel vm2, $0x0, v8;
	[tilespmem:s3+$0x200] =	vst v9  }
0x82: {  	v9 =	vand.u32 $0x100, v1;
	vm2 =	veq.s32 v0, $0x0;
	v0 =	vld [tilespmem:s3+$0x1180];
	[tilespmem:s3+$0x280] =	vst v8;
	v5 =	vsel vm0, $0x0, v5  }
0x83: {  	v8 =	vand.u32 $0x200, v1;
	vm0 =	veq.s32 v9, $0x0;
	v9 =	vld [tilespmem:s3+$0x1200];
	v6 =	vsel vm2, $0x0, v6;
	[tilespmem:s3+$0x300] =	vst v5  }
0x84: {  	vm2 =	veq.s32 v8, $0x0;
	v8 =	vld [tilespmem:s3+$0x1280];
	v5 =	vand.u32 $0x400, v1;
	v7 =	vsel vm0, $0x0, v7;
	[tilespmem:s3+$0x380] =	vst v6  }
0x85: {  	v3 =	vld [tilespmem:s21+$0x1300];
	v6 =	vand.u32 $0x800, v1;
	vm0 =	veq.s32 v5, $0x0;
	v2 =	vsel vm2, $0x0, v2;
	[tilespmem:s3+$0x1000] =	vst v7  }
0x86: {  	v5 =	vand.u32 $0x1000, v1;
	vm2 =	veq.s32 v6, $0x0;
	v6 =	vld [tilespmem:s3+$0x1300];
	v4 =	vsel vm0, $0x0, v4;
	[tilespmem:s3+$0x1080] =	vst v2  }
0x87: {  	v2 =	vand.u32 $0x2000, v1;
	vm0 =	veq.s32 v5, $0x0;
	v0 =	vsel vm2, $0x0, v0;
	[tilespmem:s3+$0x1100] =	vst v4  }
0x88: {  	v1 =	vand.u32 $0x4000, v1;
	vm2 =	veq.s32 v2, $0x0;
	v2 =	vsel vm0, $0x0, v9;
	[tilespmem:s3+$0x1180] =	vst v0  }
0x89: {  	vm0 =	vmmov vm1;
	vm1 =	veq.s32 v1, $0x0;
	v0 =	vsel vm2, $0x0, v8;
	[tilespmem:s3+$0x1200] =	vst v2  }
0x8a: {  	v1 =	vsel vm0, $0x0, v3;
	vm0 =	vmmov vm1;
	[tilespmem:s3+$0x1280] =	vst v0  }
0x8b: {  	[tilespmem:s21+$0x1300] =	vst v1;
	v0 =	vsel vm0, $0x0, v6  }
0x8c: {  	s20 =	simm.s32 $0x0;
	[tilespmem:s3+$0x1300] =	vst v0  }
0x8d: {  	[hbm4b:s7+s16] =	stream.strided.scatter [tilespmem:s20], [sflag:$0x5], $0x2000, s17, s16, $0x38;
	[tilespmem:$0x4400] =	vst v63  }
0x8e: {  	_ =	swait.ge [sflag:s30], $0x2000  }
0x8f: {  	[sflag:s30] =	ssyncset.done $0x0  }
0x90: {  	[sflag:s30] =	ssyncadd.s32 $0xFFFFE000  }
0x91: {  	s21 =	sand.u32 $0xC00, s20;
	_ =	swait.ge [sflag:s31], $0x200  }
0x92: {  	s3 =	sand.u32 $0x70, s20;
	s23 =	sshrl.u32 s21, $0x2;
	[sflag:s31] =	ssyncset.done $0x0  }
0x93: {  	s20 =	sor.u32 s3, s23;
	[sflag:s31] =	ssyncadd.s32 $0xFFFFFE00  }
0x94: {  	s19 =	sor.u32 s3, s21;
	v0 =	vld [tilespmem:s20+$0x4080]  }
0x95: {  	v1 =	vld [tilespmem:s19+$0x3380]  }
0x96: {  	v2 =	vld [tilespmem:s19+$0x2000]  }
0x97: {  	v3 =	vld [tilespmem:s19+$0x2080]  }
0x98: {  	v4 =	vld [tilespmem:s19+$0x2100]  }
0x99: {  	v6 =	vld [tilespmem:s19+$0x2180];
	v5 =	vand.u32 $0x8000, v0  }
0x9a: {  	v7 =	vld [tilespmem:s19+$0x2280];
	v9 =	vand.u32 $0x1, v0;
	v11 =	vand.u32 $0x2, v0;
	v12 =	vand.u32 $0x4, v0  }
0x9b: {  	v8 =	vld [tilespmem:s19+$0x2380];
	v13 =	vand.u32 $0x8, v0;
	v15 =	vand.u32 $0x10, v0;
	v16 =	vand.u32 $0x20, v0  }
0x9c: {  	v10 =	vld [tilespmem:s19+$0x3000];
	v17 =	vand.u32 $0x40, v0;
	v19 =	vand.u32 $0x80, v0;
	v20 =	vand.u32 $0x100, v0  }
0x9d: {  	v14 =	vld [tilespmem:s19+$0x3080];
	v21 =	vand.u32 $0x200, v0;
	v23 =	vand.u32 $0x400, v0;
	v24 =	vand.u32 $0x800, v0  }
0x9e: {  	v18 =	vld [tilespmem:s19+$0x3100];
	v25 =	vand.u32 $0x1000, v0;
	v26 =	vand.u32 $0x2000, v0;
	v0 =	vand.u32 $0x4000, v0  }
0x9f: {  	v22 =	vld [tilespmem:s19+$0x3180];
	vm0 =	veq.s32 v5, $0x0;
	vm1 =	veq.s32 v11, $0x0;
	vm2 =	veq.s32 v15, $0x0  }
0xa0: {  	s24 =	simm.s32 $0x80;
	v5 =	vld [tilespmem:s19+$0x2200];
	vm3 =	veq.s32 v16, $0x0;
	vm4 =	veq.s32 v17, $0x0;
	vm5 =	veq.s32 v19, $0x0  }
0xa1: {  	s25 =	simm.s32 $0x10;
	s3 =	sand.u32 $0xC00, s24;
	v11 =	vld [tilespmem:s19+$0x3280];
	vm6 =	veq.s32 v20, $0x0;
	vm7 =	veq.s32 v21, $0x0;
	vm8 =	veq.s32 v23, $0x0  }
0xa2: {  	s26 =	sshrl.u32 s3, $0x2;
	s20 =	sand.u32 $0x70, s25;
	vm9 =	veq.s32 v24, $0x0;
	v1 =	vsel vm0, $0x0, v1;
	vm0 =	veq.s32 v9, $0x0;
	v9 =	vld [tilespmem:s19+$0x3200]  }
0xa3: {  	s21 =	sor.u32 s20, s26;
	vm10 =	veq.s32 v25, $0x0;
	vm11 =	veq.s32 v26, $0x0;
	[tilespmem:s19+$0x3380] =	vst v1;
	v1 =	vld [tilespmem:s19+$0x2300];
	v2 =	vsel vm0, $0x0, v2  }
0xa4: {  	s20 =	sor.u32 s20, s3;
	vm12 =	veq.s32 v0, $0x0;
	v3 =	vsel vm1, $0x0, v3;
	vm1 =	veq.s32 v13, $0x0;
	[tilespmem:s19+$0x2000] =	vst v2;
	v2 =	vld [tilespmem:s21+$0x4080]  }
0xa5: {  	v48 =	vld [tilespmem:s20+$0x2300];
	v7 =	vsel vm3, $0x0, v7;
	v8 =	vsel vm5, $0x0, v8;
	vm0 =	veq.s32 v12, $0x0  }
0xa6: {  	v51 =	vld [tilespmem:s20+$0x2380];
	v10 =	vsel vm6, $0x0, v10;
	[tilespmem:s19+$0x2080] =	vst v3;
	v0 =	vsel vm0, $0x0, v4;
	v4 =	vsel vm1, $0x0, v6  }
0xa7: {  	v27 =	vld [tilespmem:s20+$0x3000];
	[tilespmem:s19+$0x2100] =	vst v0;
	v0 =	vsel vm7, $0x0, v14;
	v14 =	vsel vm8, $0x0, v18;
	v18 =	vsel vm9, $0x0, v22  }
0xa8: {  	v30 =	vld [tilespmem:s20+$0x3080];
	[tilespmem:s19+$0x2180] =	vst v4;
	v5 =	vsel vm2, $0x0, v5;
	v11 =	vsel vm11, $0x0, v11;
	v4 =	vsel vm10, $0x0, v9  }
0xa9: {  	v15 =	vld [tilespmem:s20+$0x2100];
	[tilespmem:s19+$0x2280] =	vst v7;
	v1 =	vsel vm4, $0x0, v1;
	v16 =	vand.u32 $0x8000, v2;
	v19 =	vand.u32 $0x1, v2  }
0xaa: {  	v17 =	vld [tilespmem:s20+$0x2180];
	[tilespmem:s19+$0x2200] =	vst v5;
	v5 =	vand.u32 $0x4, v2;
	v47 =	vand.u32 $0x8, v2;
	v7 =	vand.u32 $0x10, v2  }
0xab: {  	v13 =	vld [tilespmem:s20+$0x2000];
	v49 =	vand.u32 $0x20, v2;
	v50 =	vand.u32 $0x40, v2;
	[tilespmem:s19+$0x2300] =	vst v1;
	v1 =	vand.u32 $0x80, v2  }
0xac: {  	v3 =	vld [tilespmem:s20+$0x3380];
	[tilespmem:s19+$0x2380] =	vst v8;
	v52 =	vand.u32 $0x100, v2;
	v53 =	vand.u32 $0x200, v2;
	v8 =	vand.u32 $0x400, v2  }
0xad: {  	v12 =	vld [tilespmem:s19+$0x3300];
	[tilespmem:s19+$0x3000] =	vst v10;
	v28 =	vand.u32 $0x800, v2;
	v29 =	vand.u32 $0x1000, v2;
	v10 =	vand.u32 $0x2000, v2  }
0xae: {  	v6 =	vld [tilespmem:s20+$0x2080];
	vm0 =	veq.s32 v16, $0x0;
	vm1 =	veq.s32 v19, $0x0;
	vm3 =	veq.s32 v5, $0x0  }
0xaf: {  	s23 =	simm.s32 $0x100;
	[tilespmem:s19+$0x3080] =	vst v0;
	v9 =	vld [tilespmem:s20+$0x2280];
	vm4 =	veq.s32 v47, $0x0;
	vm5 =	veq.s32 v7, $0x0;
	vm6 =	veq.s32 v49, $0x0  }
0xb0: {  	s24 =	simm.s32 $0x20;
	s3 =	sand.u32 $0xC00, s23;
	[tilespmem:s19+$0x3100] =	vst v14;
	v16 =	vld [tilespmem:s20+$0x2200];
	vm7 =	veq.s32 v1, $0x0;
	vm8 =	veq.s32 v53, $0x0;
	vm9 =	veq.s32 v8, $0x0  }
0xb1: {  	s25 =	sshrl.u32 s3, $0x2;
	s21 =	sand.u32 $0x70, s24;
	[tilespmem:s19+$0x3280] =	vst v11;
	v19 =	vld [tilespmem:s20+$0x3100];
	vm10 =	veq.s32 v28, $0x0;
	vm11 =	veq.s32 v29, $0x0;
	v3 =	vsel vm0, $0x0, v3  }
0xb2: {  	s23 =	sor.u32 s21, s25;
	[tilespmem:s19+$0x3200] =	vst v4;
	v5 =	vld [tilespmem:s20+$0x3200];
	vm0 =	vmmov vm12;
	v0 =	vsel vm1, $0x0, v13;
	vm1 =	veq.s32 v50, $0x0  }
0xb3: {  	vm12 =	veq.s32 v10, $0x0;
	v10 =	vld [tilespmem:s23+$0x4080];
	v11 =	vsel vm7, $0x0, v51;
	v14 =	vsel vm8, $0x0, v30;
	[tilespmem:s20+$0x3380] =	vst v3  }
0xb4: {  	s21 =	sor.u32 s21, s3;
	v3 =	vand.u32 $0x2, v2;
	v2 =	vand.u32 $0x4000, v2;
	[tilespmem:s20+$0x2000] =	vst v0;
	v0 =	vld [tilespmem:s20+$0x3300];
	v7 =	vsel vm6, $0x0, v9  }
0xb5: {  	v9 =	vld [tilespmem:s21+$0x3380];
	[tilespmem:s20+$0x3080] =	vst v14;
	vm2 =	veq.s32 v3, $0x0;
	vm13 =	veq.s32 v2, $0x0;
	v2 =	vsel vm4, $0x0, v17  }
0xb6: {  	v8 =	vsel vm1, $0x0, v48;
	v14 =	vld [tilespmem:s21+$0x3080];
	v1 =	vsel vm2, $0x0, v6;
	vm2 =	veq.s32 v52, $0x0;
	[tilespmem:s20+$0x2180] =	vst v2  }
0xb7: {  	v3 =	vld [tilespmem:s20+$0x3180];
	v2 =	vsel vm0, $0x0, v12;
	vm0 =	vmmov vm13;
	[tilespmem:s20+$0x2080] =	vst v1;
	v1 =	vsel vm3, $0x0, v15  }
0xb8: {  	[tilespmem:s20+$0x2280] =	vst v7;
	v7 =	vld [tilespmem:s21+$0x2280];
	v4 =	vsel vm5, $0x0, v16;
	v13 =	vsel vm2, $0x0, v27;
	v15 =	vsel vm9, $0x0, v19  }
0xb9: {  	[tilespmem:s20+$0x2380] =	vst v11;
	v6 =	vld [tilespmem:s20+$0x3280];
	v17 =	vsel vm11, $0x0, v5;
	v12 =	vand.u32 $0x1, v10;
	v19 =	vand.u32 $0x2, v10  }
0xba: {  	v5 =	vld [tilespmem:s21+$0x2180];
	[tilespmem:s20+$0x2100] =	vst v1;
	v54 =	vand.u32 $0x4, v10;
	v55 =	vand.u32 $0x8, v10;
	v56 =	vand.u32 $0x10, v10  }
0xbb: {  	v1 =	vld [tilespmem:s21+$0x2000];
	[tilespmem:s20+$0x2200] =	vst v4;
	v57 =	vand.u32 $0x20, v10;
	v58 =	vand.u32 $0x40, v10;
	v59 =	vand.u32 $0x80, v10  }
0xbc: {  	v4 =	vld [tilespmem:s21+$0x2100];
	v60 =	vand.u32 $0x100, v10;
	v61 =	vand.u32 $0x200, v10;
	v62 =	vand.u32 $0x400, v10;
	[tilespmem:s20+$0x3000] =	vst v13  }
0xbd: {  	v63 =	vand.u32 $0x800, v10;
	v13 =	vand.u32 $0x1000, v10;
	v11 =	vand.u32 $0x2000, v10;
	[tilespmem:s20+$0x3100] =	vst v15;
	v15 =	vld [tilespmem:s21+$0x3100]  }
0xbe: {  	[tilespmem:s19+$0x3180] =	vst v18;
	vm11 =	veq.s32 v19, $0x0;
	vm9 =	veq.s32 v55, $0x0;
	v16 =	vsel vm10, $0x0, v3;
	v3 =	vld [tilespmem:s21+$0x2080]  }
0xbf: {  	[tilespmem:s20+$0x2300] =	vst v8;
	v18 =	vsel vm12, $0x0, v6;
	v6 =	vand.u32 $0x8000, v10;
	vm12 =	veq.s32 v12, $0x0;
	v12 =	vld [tilespmem:s21+$0x3000]  }
0xc0: {  	[tilespmem:s20+$0x3200] =	vst v17;
	vm7 =	veq.s32 v56, $0x0;
	vm4 =	veq.s32 v57, $0x0;
	vm1 =	veq.s32 v6, $0x0;
	v6 =	vld [tilespmem:s21+$0x2200]  }
0xc1: {  	vm8 =	veq.s32 v58, $0x0;
	vm5 =	veq.s32 v59, $0x0;
	[tilespmem:s20+$0x3180] =	vst v16;
	v8 =	vsel vm1, $0x0, v9;
	v9 =	vld [tilespmem:s21+$0x2380]  }
0xc2: {  	s26 =	simm.s32 $0x180;
	vm6 =	veq.s32 v61, $0x0;
	vm3 =	veq.s32 v62, $0x0;
	vm2 =	veq.s32 v63, $0x0;
	[tilespmem:s21+$0x3380] =	vst v8;
	v8 =	vld [tilespmem:s21+$0x2300]  }
0xc3: {  	s24 =	simm.s32 $0x30;
	s25 =	sand.u32 $0xC00, s26;
	s23 =	simm.s32 $0x200;
	vm10 =	veq.s32 v54, $0x0;
	v10 =	vand.u32 $0x4000, v10;
	v16 =	vld [tilespmem:s21+$0x3180];
	[tilespmem:s20+$0x3280] =	vst v18;
	vm1 =	veq.s32 v60, $0x0  }
.LBB2_4:
0xc4: {  	p0 =	sne.s32 s23, $0xF80;
	s3 =	sand.u32 $0x70, s24;
	s26 =	sshrl.u32 s25, $0x2;
	v17 =	vld [tilespmem:s21+$0x3200];
	vm14 =	veq.s32 v13, $0x0;
	vm13 =	veq.s32 v11, $0x0;
	vm15 =	veq.s32 v10, $0x0;
	[tilespmem:s19+$0x3300] =	vst v2  }
0xc5: {  	v1 =	vsel vm12, $0x0, v1;
	v2 =	vsel vm11, $0x0, v3;
	v3 =	vsel vm10, $0x0, v4;
	s19 =	smov.u32 s20;
	s20 =	smov.u32 s21;
	s26 =	sor.u32 s3, s26;
	v4 =	vld [tilespmem:s21+$0x3280]  }
0xc6: {  	v5 =	vsel vm9, $0x0, v5;
	v6 =	vsel vm7, $0x0, v6;
	v7 =	vsel vm4, $0x0, v7;
	v10 =	vld [tilespmem:s26+$0x4080];
	[tilespmem:s20+$0x2000] =	vst v1  }
0xc7: {  	v8 =	vsel vm8, $0x0, v8;
	v9 =	vsel vm5, $0x0, v9;
	s21 =	sor.u32 s3, s25;
	v11 =	vsel vm1, $0x0, v12;
	[tilespmem:s20+$0x2080] =	vst v2;
	v12 =	vld [tilespmem:s20+$0x3300]  }
0xc8: {  	v14 =	vsel vm6, $0x0, v14;
	v15 =	vsel vm3, $0x0, v15;
	v13 =	vld [tilespmem:s21+$0x3380];
	[tilespmem:s20+$0x2100] =	vst v3;
	v16 =	vsel vm2, $0x0, v16  }
0xc9: {  	v2 =	vsel vm0, $0x0, v0;
	vm0 =	vmmov vm15;
	v1 =	vld [tilespmem:s21+$0x2000];
	[tilespmem:s20+$0x2180] =	vst v5;
	v17 =	vsel vm14, $0x0, v17  }
0xca: {  	v3 =	vld [tilespmem:s21+$0x2080];
	[tilespmem:s20+$0x2200] =	vst v6;
	v18 =	vsel vm13, $0x0, v4  }
0xcb: {  	v19 =	vand.u32 $0x1, v10;
	v20 =	vand.u32 $0x2, v10;
	v4 =	vld [tilespmem:s21+$0x2100];
	v6 =	vand.u32 $0x8000, v10;
	[tilespmem:s20+$0x2280] =	vst v7  }
0xcc: {  	v21 =	vand.u32 $0x4, v10;
	v22 =	vand.u32 $0x8, v10;
	v5 =	vld [tilespmem:s21+$0x2180];
	vm1 =	veq.s32 v6, $0x0;
	[tilespmem:s20+$0x2300] =	vst v8;
	v0 =	vmovc v12  }
0xcd: {  	v23 =	vand.u32 $0x10, v10;
	v24 =	vand.u32 $0x20, v10;
	v6 =	vld [tilespmem:s21+$0x2200];
	v8 =	vsel vm1, $0x0, v13;
	[tilespmem:s20+$0x2380] =	vst v9  }
0xce: {  	v25 =	vand.u32 $0x40, v10;
	v26 =	vand.u32 $0x80, v10;
	v27 =	vand.u32 $0x100, v10;
	v7 =	vld [tilespmem:s21+$0x2280];
	[tilespmem:s21+$0x3380] =	vst v8  }
0xcf: {  	v28 =	vand.u32 $0x200, v10;
	v29 =	vand.u32 $0x400, v10;
	v30 =	vand.u32 $0x800, v10;
	v8 =	vld [tilespmem:s21+$0x2300];
	[tilespmem:s20+$0x3000] =	vst v11  }
.Ltmp1:
0xd0: {  	v13 =	vand.u32 $0x1000, v10;
	v11 =	vand.u32 $0x2000, v10;
	v10 =	vand.u32 $0x4000, v10;
	v9 =	vld [tilespmem:s21+$0x2380];
	[tilespmem:s20+$0x3080] =	vst v14;
	(pc) =	sbr.rel @p0 .LBB2_4-.Ltmp1, $4  }
0xd1: {  	vm12 =	veq.s32 v19, $0x0;
	vm11 =	veq.s32 v20, $0x0;
	vm10 =	veq.s32 v21, $0x0;
	v12 =	vld [tilespmem:s21+$0x3000];
	[tilespmem:s20+$0x3100] =	vst v15  }
0xd2: {  	vm9 =	veq.s32 v22, $0x0;
	vm7 =	veq.s32 v23, $0x0;
	vm4 =	veq.s32 v24, $0x0;
	v14 =	vld [tilespmem:s21+$0x3080];
	[tilespmem:s20+$0x3180] =	vst v16  }
0xd3: {  	vm8 =	veq.s32 v25, $0x0;
	vm5 =	veq.s32 v26, $0x0;
	vm1 =	veq.s32 v27, $0x0;
	v15 =	vld [tilespmem:s21+$0x3100];
	[tilespmem:s20+$0x3200] =	vst v17  }
0xd4: {  	s24 =	sadd.s32 $0x10, s24;
	s25 =	sand.u32 $0xC00, s23;
	s23 =	sadd.s32 $0x80, s23;
	vm6 =	veq.s32 v28, $0x0;
	vm3 =	veq.s32 v29, $0x0;
	vm2 =	veq.s32 v30, $0x0;
	v16 =	vld [tilespmem:s21+$0x3180];
	[tilespmem:s20+$0x3280] =	vst v18  }
0xd5: {  	v1 =	vsel vm12, $0x0, v1;
	[tilespmem:s19+$0x3300] =	vst v2  }
0xd6: {  	v3 =	vsel vm11, $0x0, v3;
	[tilespmem:s21+$0x2000] =	vst v1  }
0xd7: {  	v57 =	vsel vm10, $0x0, v4;
	[tilespmem:s21+$0x2080] =	vst v3  }
0xd8: {  	v58 =	vsel vm9, $0x0, v5;
	[tilespmem:s21+$0x2100] =	vst v57  }
0xd9: {  	v60 =	vsel vm7, $0x0, v6;
	[tilespmem:s21+$0x2180] =	vst v58  }
0xda: {  	v61 =	vsel vm4, $0x0, v7;
	[tilespmem:s21+$0x2200] =	vst v60  }
0xdb: {  	s3 =	sand.u32 $0x70, s24;
	s23 =	sshrl.u32 s25, $0x2;
	v62 =	vsel vm8, $0x0, v8;
	[tilespmem:s21+$0x2280] =	vst v61  }
0xdc: {  	v17 =	vld [tilespmem:s21+$0x3200];
	v9 =	vsel vm5, $0x0, v9;
	s23 =	sor.u32 s3, s23;
	[tilespmem:s21+$0x2300] =	vst v62  }
0xdd: {  	v0 =	vsel vm0, $0x0, v0;
	[tilespmem:s21+$0x2380] =	vst v9;
	v1 =	vld [tilespmem:s23+$0x4080]  }
0xde: {  	v18 =	vld [tilespmem:s21+$0x3280];
	s26 =	sor.u32 s3, s25;
	v20 =	vsel vm1, $0x0, v12;
	[tilespmem:s20+$0x3300] =	vst v0  }
0xdf: {  	v59 =	vld [tilespmem:s26+$0x3380];
	v21 =	vsel vm6, $0x0, v14;
	[tilespmem:s21+$0x3000] =	vst v20  }
0xe0: {  	v23 =	vld [tilespmem:s26+$0x2000];
	v22 =	vsel vm3, $0x0, v15;
	[tilespmem:s21+$0x3080] =	vst v21  }
0xe1: {  	vm9 =	veq.s32 v13, $0x0;
	vm10 =	veq.s32 v11, $0x0;
	v25 =	vld [tilespmem:s26+$0x2080];
	v24 =	vsel vm2, $0x0, v16;
	[tilespmem:s21+$0x3100] =	vst v22  }
0xe2: {  	vm1 =	veq.s32 v10, $0x0;
	v27 =	vld [tilespmem:s26+$0x2100];
	v26 =	vsel vm9, $0x0, v17;
	[tilespmem:s21+$0x3180] =	vst v24;
	v63 =	vand.u32 $0x8000, v1  }
0xe3: {  	v30 =	vld [tilespmem:s26+$0x2180];
	v28 =	vsel vm10, $0x0, v18;
	[tilespmem:s21+$0x3200] =	vst v26;
	v29 =	vand.u32 $0x1, v1;
	vm8 =	veq.s32 v63, $0x0  }
0xe4: {  	v32 =	vld [tilespmem:s26+$0x2200];
	[tilespmem:s21+$0x3280] =	vst v28;
	v31 =	vand.u32 $0x2, v1;
	vm11 =	veq.s32 v29, $0x0;
	v19 =	vsel vm8, $0x0, v59  }
0xe5: {  	v34 =	vld [tilespmem:s26+$0x2280];
	v33 =	vand.u32 $0x4, v1;
	vm12 =	veq.s32 v31, $0x0;
	v35 =	vsel vm11, $0x0, v23;
	[tilespmem:s26+$0x3380] =	vst v19  }
0xe6: {  	v37 =	vld [tilespmem:s26+$0x2300];
	v36 =	vand.u32 $0x8, v1;
	vm13 =	veq.s32 v33, $0x0;
	v38 =	vsel vm12, $0x0, v25;
	[tilespmem:s26+$0x2000] =	vst v35  }
0xe7: {  	v40 =	vld [tilespmem:s26+$0x2380];
	v39 =	vand.u32 $0x10, v1;
	vm14 =	veq.s32 v36, $0x0;
	v41 =	vsel vm13, $0x0, v27;
	[tilespmem:s26+$0x2080] =	vst v38  }
0xe8: {  	v43 =	vld [tilespmem:s26+$0x3000];
	v42 =	vand.u32 $0x20, v1;
	vm15 =	veq.s32 v39, $0x0;
	v44 =	vsel vm14, $0x0, v30;
	[tilespmem:s26+$0x2100] =	vst v41  }
0xe9: {  	v49 =	vld [tilespmem:s26+$0x3100];
	v45 =	vand.u32 $0x40, v1;
	vm4 =	veq.s32 v42, $0x0;
	v47 =	vsel vm15, $0x0, v32;
	[tilespmem:s26+$0x2180] =	vst v44  }
0xea: {  	v51 =	vld [tilespmem:s26+$0x3180];
	v48 =	vand.u32 $0x80, v1;
	vm5 =	veq.s32 v45, $0x0;
	v8 =	vsel vm4, $0x0, v34;
	[tilespmem:s26+$0x2200] =	vst v47  }
0xeb: {  	v46 =	vld [tilespmem:s26+$0x3080];
	v50 =	vand.u32 $0x100, v1;
	vm6 =	veq.s32 v48, $0x0;
	v5 =	vsel vm5, $0x0, v37;
	[tilespmem:s26+$0x2280] =	vst v8  }
0xec: {  	v53 =	vld [tilespmem:s26+$0x3200];
	v54 =	vand.u32 $0x400, v1;
	vm7 =	veq.s32 v50, $0x0;
	v6 =	vsel vm6, $0x0, v40;
	[tilespmem:s26+$0x2300] =	vst v5  }
0xed: {  	v3 =	vld [tilespmem:s21+$0x3300];
	v56 =	vand.u32 $0x800, v1;
	vm9 =	veq.s32 v54, $0x0;
	v7 =	vsel vm7, $0x0, v43;
	[tilespmem:s26+$0x2380] =	vst v6  }
0xee: {  	v55 =	vld [tilespmem:s26+$0x3280];
	v52 =	vand.u32 $0x200, v1;
	vm10 =	veq.s32 v56, $0x0;
	v4 =	vsel vm9, $0x0, v49;
	[tilespmem:s26+$0x3000] =	vst v7  }
0xef: {  	v58 =	vld [tilespmem:s26+$0x3300];
	v57 =	vand.u32 $0x1000, v1;
	vm8 =	veq.s32 v52, $0x0;
	v0 =	vsel vm10, $0x0, v51;
	[tilespmem:s26+$0x3100] =	vst v4  }
0xf0: {  	v59 =	vand.u32 $0x2000, v1;
	vm11 =	veq.s32 v57, $0x0;
	v2 =	vsel vm8, $0x0, v46;
	[tilespmem:s26+$0x3180] =	vst v0  }
0xf1: {  	v1 =	vand.u32 $0x4000, v1;
	vm13 =	vmmov vm1;
	v60 =	vsel vm11, $0x0, v53;
	[tilespmem:s26+$0x3080] =	vst v2  }
0xf2: {  	vm12 =	veq.s32 v59, $0x0;
	vm14 =	veq.s32 v1, $0x0;
	v62 =	vsel vm13, $0x0, v3;
	[tilespmem:s26+$0x3200] =	vst v60  }
0xf3: {  	v61 =	vsel vm12, $0x0, v55;
	vm15 =	vmmov vm14;
	[tilespmem:s21+$0x3300] =	vst v62  }
0xf4: {  	[tilespmem:s26+$0x3280] =	vst v61;
	v63 =	vsel vm15, $0x0, v58  }
0xf5: {  	s18 =	sadd.s32 $0x1, s18;
	[tilespmem:s26+$0x3300] =	vst v63  }
0xf6: {  	[hbm4b:s8+s16] =	stream.strided.scatter [tilespmem:s22], [sflag:$0x6], $0x2000, s17, s16, $0x38;
	[tilespmem:$0x4400] =	vst v63  }
0xf7: {  	p0 =	sne.s32 s18, s9;
	_ =	swait.ge [sflag:s0], $0x2000  }
.Ltmp2:
0xf8: {  	[sflag:s0] =	ssyncset.done $0x0;
	(pc) =	sbr.rel @p0 .LBB2_1-.Ltmp2, $4  }
0xf9: {  	[sflag:s0] =	ssyncadd.s32 $0xFFFFE000  }
0xfa: {  	_ =	swait.ge [sflag:s1], $0x2000  }
0xfb: {  	[sflag:s1] =	ssyncset.done $0x0  }
0xfc: {  	[sflag:s1] =	ssyncadd.s32 $0xFFFFE000  }
0xfd: {  	_ =	sfence.sel $0x180000  }
0xfe: {  	[bflag:$0x0] =	sbarrier.arrive $0xFFFF  }
0xff: {  	_ =	strace $0x90000047  }
0x100: {  	s0 =	stileid.u32;
	[bflag:$0x2] =	sbarrier.arrive $0xFFFF  }
0x101: {  	p0 =	sne.s32 s0, $0x0;
	s0 =	rddreg [dreg:$0x2]  }
0x102: {  	s0 =	sadd.s32 @!p0 $0x100000, s0  }
0x103: {  	[sflag:s0] =	ssyncadd.tile.s32 @!p0 $0x1;
	_ =	shalt  }
.Lfunc_end2:
_tile_overlayer_lowered:
.L_overlay_start_2:
0x104: {  	(tag) =	ssettag $0x2  }
0x105: {  	s0 =	rddreg [dreg:$0x0];
	s2 =	stileid.u32  }
0x106: {  	s1 =	rddreg [dreg:$0x1];
	p0 =	sne.s32 s2, $0x0  }
0x107: {  	s3 =	rddreg [dreg:$0x2];
	[bflag:$0x3] =	sbarrier.arrive $0xFFFF;
	s2 =	simm.s32 @!p0 $0x1C07  }
0x108: {  	[timem:s3], [sflag:s2] =	dma.local @!p0 [hbm:s0], s1  }
0x109: {  	s0 =	simm.s32 @!p0 $0x7  }
0x10a: {  	_ =	swait.ge @!p0 [sflag:s0], s1  }
0x10b: {  	s1 =	ssub.s32 @!p0 $0x0, s1;
	[sflag:s0] =	ssyncset.done @!p0 $0x0  }
0x10c: {  	[sflag:s0] =	ssyncadd.s32 @!p0 s1  }
0x10d: {  	[bflag:$0x3] =	sbarrier.arrive $0xFFFF  }
0x10e: {  	_ =	shalt  }

</sc_bundles>
